<compile_context>
chip_gen: v7x
topology: tpu7x:2x2x1
jax: 0.10.2.dev20260603
libtpu: 0.0.44.dev20260713+nightly
codegen_flags: <defaults>
</compile_context>

<pallas_src>
import functools
from math import sqrt

import jax
import jax.numpy as jnp
from jax import lax
from jax.experimental import pallas as pl
from jax.experimental.pallas import tpu as pltpu
from jax.experimental.pallas import tpu_sc as plsc

VOCAB = 100000
DIM = 128
SCALE = float(sqrt(DIM))

NC = 2
NS = 16
NW = NC * NS

NBATCH = 4096
SEQ = 50
BPW = NBATCH // NW
GB = 2
CHUNK = GB * SEQ
NCHUNK = BPW // GB

_mesh = plsc.VectorSubcoreMesh(core_axis_name="c", subcore_axis_name="s")


@functools.partial(
    pl.kernel,
    mesh=_mesh,
    out_type=jax.ShapeDtypeStruct((NBATCH, SEQ, DIM), jnp.float32),
    scratch_types=[
        pltpu.VMEM((NCHUNK, CHUNK), jnp.int32),
        pltpu.VMEM((2, CHUNK, DIM), jnp.float32),
        pltpu.VMEM((2, GB, SEQ, DIM), jnp.float32),
        pltpu.SemaphoreType.DMA,
        pltpu.SemaphoreType.DMA,
    ],
)
def _gather_scale(idx_hbm, table_hbm, out_hbm, idx_v, gbuf, obuf, gsem, osem):
    wid = lax.axis_index("s") * NC + lax.axis_index("c")
    base = wid * BPW
    pltpu.sync_copy(idx_hbm.at[wid], idx_v)

    pltpu.async_copy(table_hbm.at[idx_v.at[0]], gbuf.at[0], gsem)
    pltpu.async_copy(table_hbm.at[idx_v.at[1]], gbuf.at[1], gsem)

    def pair_body(p, _):
        c0 = 2 * p
        for b in range(2):
            c = c0 + b
            pltpu.make_async_copy(
                table_hbm.at[idx_v.at[c]], gbuf.at[b], gsem).wait()

            @pl.when(c >= 2)
            def _wait_ocopy():
                pltpu.make_async_copy(
                    obuf.at[b],
                    out_hbm.at[pl.ds(base + (c - 2) * GB, GB)],
                    osem).wait()

            def scale_row(i, _):
                for bb in range(GB):
                    for jj in range(DIM // 16):
                        s = pl.ds(jj * 16, 16)
                        obuf[b, bb, i, s] = gbuf[b, bb * SEQ + i, s] * SCALE
                return 0

            lax.fori_loop(0, SEQ, scale_row, 0)

            @pl.when(c + 2 < NCHUNK)
            def _next_gather():
                pltpu.async_copy(
                    table_hbm.at[idx_v.at[c + 2]], gbuf.at[b], gsem)

            pltpu.async_copy(
                obuf.at[b], out_hbm.at[pl.ds(base + c * GB, GB)], osem)
        return 0

    lax.fori_loop(0, NCHUNK // 2, pair_body, 0)

    for b in range(2):
        c = NCHUNK - 2 + b
        pltpu.make_async_copy(
            obuf.at[b], out_hbm.at[pl.ds(base + c * GB, GB)],
            osem).wait()


def kernel(x, table):
    idx = x.reshape(NW, NCHUNK, CHUNK).astype(jnp.int32)
    return _gather_scale(idx, table)

# --- scband reference (transcript-rebuilt; emitter-appended) ---
"""Pipeline reference for scband-embeddings-63299228009348 (READ-ONLY COPY).

The authoritative reference and input builder live on the scoring server;
editing this copy changes nothing except your own understanding.
"""

import jax, jax.numpy as jnp
import numpy as np
from math import sqrt

VOCAB = 100000
DIM = 128

def setup_inputs(seed: int = 0) -> dict:
    key = jax.random.key(seed)
    k1, k2 = jax.random.split(key)
    x = jax.random.randint(k1, (4096, 50), 0, VOCAB, dtype=jnp.int64)
    table = jax.random.normal(k2, (VOCAB, DIM), dtype=jnp.float32)
    return {"x": x, "table": table}

def reference(x, table):
    # Embeddings.forward: self.embed(x) * sqrt(self.dim)
    emb = jnp.take(table, x, axis=0)
    return emb * sqrt(DIM)

if __name__ == "__main__":
    import jax
    _d = setup_inputs()
    print(jax.jit(kernel)(*tuple(_d.values())))

</pallas_src>

<mosaic_0001>
#map = affine_map<(d0, d1) -> (0, 0, 0)>
#map1 = affine_map<(d0, d1) -> (0, 0)>
module attributes {stable_mosaic.version = 14 : i64} {
  func.func @_gather_scale(%arg0: i32, %arg1: i32, %arg2: memref<32x64x100xi32, #tpu.memory_space<hbm>>, %arg3: memref<100000x128xf32, #tpu.memory_space<hbm>>, %arg4: memref<4096x50x128xf32, #tpu.memory_space<hbm>>, %arg5: memref<64x100xi32, #tpu.memory_space<vmem>>, %arg6: memref<2x100x128xf32, #tpu.memory_space<vmem>>, %arg7: memref<2x2x50x128xf32, #tpu.memory_space<vmem>>, %arg8: memref<!tpu.dma_semaphore, #tpu.memory_space<semaphore_mem>>, %arg9: memref<!tpu.dma_semaphore, #tpu.memory_space<semaphore_mem>>) attributes {dimension_semantics = [#tpu.dimension_semantics<core_parallel>, #tpu.dimension_semantics<subcore_parallel>], iteration_bounds = array<i64: 2, 16>, scalar_prefetch = 0 : i64, scratch_operands = 5 : i64, tpu.core_type = #tpu.core_type<sc_vector_subcore>, window_params = [{transform_indices = #map}, {transform_indices = #map1}, {transform_indices = #map}]} {
    %mul3A = arith.constant 2 : i32
    %mul3A_0 = arith.muli %arg1, %mul3A : i32
    %add3A = arith.addi %mul3A_0, %arg0 : i32
    %mul3A_1 = arith.constant 128 : i32
    %mul3A_2 = arith.muli %add3A, %mul3A_1 : i32
    "tpu.region"() ({
      %run_scoped3A = tpu.sem_alloc : memref<!tpu.dma_semaphore, #tpu.memory_space<semaphore_mem>>
      %dma_start3A_69 = arith.constant 0 : i32
      %dma_start3A_70 = arith.constant 0 : i32
      %dma_start3A_71 = tpu.memref_slice %arg2[%add3A, %dma_start3A_69, %dma_start3A_70] : memref<32x64x100xi32, #tpu.memory_space<hbm>> -> memref<1x64x100xi32, #tpu.memory_space<hbm>>
      %dma_start3A_72 = tpu.memref_squeeze %dma_start3A_71 : memref<1x64x100xi32, #tpu.memory_space<hbm>> -> memref<64x100xi32, #tpu.memory_space<hbm>>
      %dma_start3A_73 = arith.constant 0 : i32
      %dma_start3A_74 = arith.constant 0 : i32
      %dma_start3A_75 = tpu.memref_slice %arg2[%add3A, %dma_start3A_73, %dma_start3A_74] : memref<32x64x100xi32, #tpu.memory_space<hbm>> -> memref<1x64x100xi32, #tpu.memory_space<hbm>>
      %dma_start3A_76 = tpu.memref_squeeze %dma_start3A_75 : memref<1x64x100xi32, #tpu.memory_space<hbm>> -> memref<64x100xi32, #tpu.memory_space<hbm>>
      tpu.enqueue_dma source(%dma_start3A_76 : memref<64x100xi32, #tpu.memory_space<hbm>>) target(%arg5 : memref<64x100xi32, #tpu.memory_space<vmem>>) target_semaphore(%run_scoped3A : memref<!tpu.dma_semaphore, #tpu.memory_space<semaphore_mem>>)
      %dma_wait3A_77 = arith.constant 0 : i32
      %dma_wait3A_78 = arith.constant 0 : i32
      %dma_wait3A_79 = tpu.memref_slice %arg2[%add3A, %dma_wait3A_77, %dma_wait3A_78] : memref<32x64x100xi32, #tpu.memory_space<hbm>> -> memref<1x64x100xi32, #tpu.memory_space<hbm>>
      %dma_wait3A_80 = tpu.memref_squeeze %dma_wait3A_79 : memref<1x64x100xi32, #tpu.memory_space<hbm>> -> memref<64x100xi32, #tpu.memory_space<hbm>>
      %dma_wait3A_81 = arith.constant 0 : i32
      %dma_wait3A_82 = arith.constant 0 : i32
      %dma_wait3A_83 = tpu.memref_slice %arg2[%add3A, %dma_wait3A_81, %dma_wait3A_82] : memref<32x64x100xi32, #tpu.memory_space<hbm>> -> memref<1x64x100xi32, #tpu.memory_space<hbm>>
      %dma_wait3A_84 = tpu.memref_squeeze %dma_wait3A_83 : memref<1x64x100xi32, #tpu.memory_space<hbm>> -> memref<64x100xi32, #tpu.memory_space<hbm>>
      tpu.wait_dma2 semaphore(%run_scoped3A : memref<!tpu.dma_semaphore, #tpu.memory_space<semaphore_mem>>) src(%dma_wait3A_84 : memref<64x100xi32, #tpu.memory_space<hbm>>) dst(%arg5 : memref<64x100xi32, #tpu.memory_space<vmem>>)
      tpu.yield
    }) : () -> ()
    %dma_start3A = arith.constant 0 : i32
    %dma_start3A_3 = arith.constant 0 : i32
    %dma_start3A_4 = arith.constant 0 : i32
    %dma_start3A_5 = arith.constant 0 : i32
    %dma_start3A_6 = tpu.memref_slice %arg6[%dma_start3A_3, %dma_start3A_4, %dma_start3A_5] : memref<2x100x128xf32, #tpu.memory_space<vmem>> -> memref<1x100x128xf32, #tpu.memory_space<vmem>>
    %dma_start3A_7 = tpu.memref_squeeze %dma_start3A_6 : memref<1x100x128xf32, #tpu.memory_space<vmem>> -> memref<100x128xf32, #tpu.memory_space<vmem>>
    %dma_start3A_8 = arith.constant 0 : i32
    %dma_start3A_9 = tpu.memref_slice %arg5[%dma_start3A, %dma_start3A_8] : memref<64x100xi32, #tpu.memory_space<vmem>> -> memref<1x100xi32, #tpu.memory_space<vmem>>
    %dma_start3A_10 = tpu.memref_squeeze %dma_start3A_9 : memref<1x100xi32, #tpu.memory_space<vmem>> -> memref<100xi32, #tpu.memory_space<vmem>>
    %dma_start3A_11 = arith.constant 0 : i32
    %dma_start3A_12 = arith.constant 0 : i32
    %dma_start3A_13 = tpu.memref_slice %arg3[%dma_start3A_11, %dma_start3A_12] : memref<100000x128xf32, #tpu.memory_space<hbm>> -> memref<100000x128xf32, #tpu.memory_space<hbm>>
    tpu.enqueue_indirect_dma source(%dma_start3A_13 : memref<100000x128xf32, #tpu.memory_space<hbm>>) target(%dma_start3A_7 : memref<100x128xf32, #tpu.memory_space<vmem>>) offsets(%dma_start3A_10 : memref<100xi32, #tpu.memory_space<vmem>>) semaphore(%arg8 : memref<!tpu.dma_semaphore, #tpu.memory_space<semaphore_mem>>)
    %dma_start3A_14 = arith.constant 1 : i32
    %dma_start3A_15 = arith.constant 1 : i32
    %dma_start3A_16 = arith.constant 0 : i32
    %dma_start3A_17 = arith.constant 0 : i32
    %dma_start3A_18 = tpu.memref_slice %arg6[%dma_start3A_15, %dma_start3A_16, %dma_start3A_17] : memref<2x100x128xf32, #tpu.memory_space<vmem>> -> memref<1x100x128xf32, #tpu.memory_space<vmem>>
    %dma_start3A_19 = tpu.memref_squeeze %dma_start3A_18 : memref<1x100x128xf32, #tpu.memory_space<vmem>> -> memref<100x128xf32, #tpu.memory_space<vmem>>
    %dma_start3A_20 = arith.constant 0 : i32
    %dma_start3A_21 = tpu.memref_slice %arg5[%dma_start3A_14, %dma_start3A_20] : memref<64x100xi32, #tpu.memory_space<vmem>> -> memref<1x100xi32, #tpu.memory_space<vmem>>
    %dma_start3A_22 = tpu.memref_squeeze %dma_start3A_21 : memref<1x100xi32, #tpu.memory_space<vmem>> -> memref<100xi32, #tpu.memory_space<vmem>>
    %dma_start3A_23 = arith.constant 0 : i32
    %dma_start3A_24 = arith.constant 0 : i32
    %dma_start3A_25 = tpu.memref_slice %arg3[%dma_start3A_23, %dma_start3A_24] : memref<100000x128xf32, #tpu.memory_space<hbm>> -> memref<100000x128xf32, #tpu.memory_space<hbm>>
    tpu.enqueue_indirect_dma source(%dma_start3A_25 : memref<100000x128xf32, #tpu.memory_space<hbm>>) target(%dma_start3A_19 : memref<100x128xf32, #tpu.memory_space<vmem>>) offsets(%dma_start3A_22 : memref<100xi32, #tpu.memory_space<vmem>>) semaphore(%arg8 : memref<!tpu.dma_semaphore, #tpu.memory_space<semaphore_mem>>)
    %scan3A = arith.constant 0 : i32
    %scan3A_26 = arith.constant 0 : i32
    %scan3A_27 = arith.constant 32 : i32
    %scan3A_28 = arith.addi %scan3A_26, %scan3A_27 : i32
    %scan3A_29 = arith.constant 1 : i32
    %scan3A_30 = scf.for %scan3A_69 = %scan3A_26 to %scan3A_28 step %scan3A_29 iter_args(%scan3A_70 = %scan3A) -> (i32)  : i32 {
      %mul3A_71 = arith.constant 2 : i32
      %mul3A_72 = arith.muli %mul3A_71, %scan3A_69 : i32
      %add3A_73 = arith.constant 0 : i32
      %add3A_74 = arith.addi %mul3A_72, %add3A_73 : i32
      %dma_wait3A_75 = arith.constant 0 : i32
      %dma_wait3A_76 = arith.constant 0 : i32
      %dma_wait3A_77 = arith.constant 0 : i32
      %dma_wait3A_78 = tpu.memref_slice %arg6[%dma_wait3A_75, %dma_wait3A_76, %dma_wait3A_77] : memref<2x100x128xf32, #tpu.memory_space<vmem>> -> memref<1x100x128xf32, #tpu.memory_space<vmem>>
      %dma_wait3A_79 = tpu.memref_squeeze %dma_wait3A_78 : memref<1x100x128xf32, #tpu.memory_space<vmem>> -> memref<100x128xf32, #tpu.memory_space<vmem>>
      %dma_wait3A_80 = arith.constant 0 : i32
      %dma_wait3A_81 = tpu.memref_slice %arg5[%add3A_74, %dma_wait3A_80] : memref<64x100xi32, #tpu.memory_space<vmem>> -> memref<1x100xi32, #tpu.memory_space<vmem>>
      %dma_wait3A_82 = tpu.memref_squeeze %dma_wait3A_81 : memref<1x100xi32, #tpu.memory_space<vmem>> -> memref<100xi32, #tpu.memory_space<vmem>>
      %dma_wait3A_83 = arith.constant 0 : i32
      %dma_wait3A_84 = arith.constant 0 : i32
      %dma_wait3A_85 = tpu.memref_slice %arg3[%dma_wait3A_83, %dma_wait3A_84] : memref<100000x128xf32, #tpu.memory_space<hbm>> -> memref<100000x128xf32, #tpu.memory_space<hbm>>
      tpu.wait_indirect_dma semaphore(%arg8 : memref<!tpu.dma_semaphore, #tpu.memory_space<semaphore_mem>>) src(%dma_wait3A_85 : memref<100000x128xf32, #tpu.memory_space<hbm>>) dst(%dma_wait3A_79 : memref<100x128xf32, #tpu.memory_space<vmem>>)
      %ge3A = arith.constant 2 : i32
      %ge3A_86 = arith.cmpi sge, %add3A_74, %ge3A : i32
      %convert_element_type3A = arith.extui %ge3A_86 : i1 to i32
      %cond3A = arith.constant 0 : i32
      %cond3A_87 = arith.cmpi ne, %convert_element_type3A, %cond3A : i32
      scf.if %cond3A_87 {
        %sub3A = arith.constant 2 : i32
        %sub3A_174 = arith.subi %add3A_74, %sub3A : i32
        %mul3A_175 = arith.constant 2 : i32
        %mul3A_176 = arith.muli %sub3A_174, %mul3A_175 : i32
        %add3A_177 = arith.addi %mul3A_2, %mul3A_176 : i32
        %dma_wait3A_178 = arith.constant 0 : i32
        %dma_wait3A_179 = arith.constant 0 : i32
        %dma_wait3A_180 = arith.constant 0 : i32
        %dma_wait3A_181 = arith.constant 0 : i32
        %dma_wait3A_182 = tpu.memref_slice %arg7[%dma_wait3A_178, %dma_wait3A_179, %dma_wait3A_180, %dma_wait3A_181] : memref<2x2x50x128xf32, #tpu.memory_space<vmem>> -> memref<1x2x50x128xf32, #tpu.memory_space<vmem>>
        %dma_wait3A_183 = tpu.memref_squeeze %dma_wait3A_182 : memref<1x2x50x128xf32, #tpu.memory_space<vmem>> -> memref<2x50x128xf32, #tpu.memory_space<vmem>>
        %dma_wait3A_184 = arith.constant 0 : i32
        %dma_wait3A_185 = arith.constant 0 : i32
        %dma_wait3A_186 = tpu.memref_slice %arg4[%add3A_177, %dma_wait3A_184, %dma_wait3A_185] : memref<4096x50x128xf32, #tpu.memory_space<hbm>> -> memref<2x50x128xf32, #tpu.memory_space<hbm>>
        %dma_wait3A_187 = arith.constant 0 : i32
        %dma_wait3A_188 = arith.constant 0 : i32
        %dma_wait3A_189 = tpu.memref_slice %arg4[%add3A_177, %dma_wait3A_187, %dma_wait3A_188] : memref<4096x50x128xf32, #tpu.memory_space<hbm>> -> memref<2x50x128xf32, #tpu.memory_space<hbm>>
        %dma_wait3A_190 = arith.constant 0 : i32
        %dma_wait3A_191 = arith.constant 0 : i32
        %dma_wait3A_192 = arith.constant 0 : i32
        %dma_wait3A_193 = tpu.memref_slice %arg7[%dma_wait3A_178, %dma_wait3A_190, %dma_wait3A_191, %dma_wait3A_192] : memref<2x2x50x128xf32, #tpu.memory_space<vmem>> -> memref<1x2x50x128xf32, #tpu.memory_space<vmem>>
        %dma_wait3A_194 = tpu.memref_squeeze %dma_wait3A_193 : memref<1x2x50x128xf32, #tpu.memory_space<vmem>> -> memref<2x50x128xf32, #tpu.memory_space<vmem>>
        tpu.wait_dma2 semaphore(%arg9 : memref<!tpu.dma_semaphore, #tpu.memory_space<semaphore_mem>>) src(%dma_wait3A_194 : memref<2x50x128xf32, #tpu.memory_space<vmem>>) dst(%dma_wait3A_189 : memref<2x50x128xf32, #tpu.memory_space<hbm>>)
      } else {
      }
      %scan3A_88 = arith.constant 0 : i32
      %scan3A_89 = arith.constant 0 : i32
      %scan3A_90 = arith.constant 50 : i32
      %scan3A_91 = arith.addi %scan3A_89, %scan3A_90 : i32
      %scan3A_92 = arith.constant 1 : i32
      %scan3A_93 = scf.for %scan3A_174 = %scan3A_89 to %scan3A_91 step %scan3A_92 iter_args(%scan3A_175 = %scan3A_88) -> (i32)  : i32 {
        %add3A_176 = arith.constant 0 : i32
        %add3A_177 = arith.addi %add3A_176, %scan3A_174 : i32
        %get3A = arith.constant 0 : i32
        %get3A_178 = arith.index_cast %get3A : i32 to index
        %get3A_179 = arith.index_cast %add3A_177 : i32 to index
        %get3A_180 = arith.constant 0 : index
        %get3A_181 = tpu.vector_load %arg6[%get3A_178, %get3A_179, %get3A_180] {strides = array<i32>} : memref<2x100x128xf32, #tpu.memory_space<vmem>>, vector<1x1x16xf32>,
        %get3A_182 = vector.shape_cast %get3A_181 : vector<1x1x16xf32> to vector<16xf32>
        %mul3A_183 = arith.constant 11.3137083 : f32
        %mul3A_184 = vector.broadcast %mul3A_183 : f32 to vector<16xf32>
        %mul3A_185 = arith.mulf %get3A_182, %mul3A_184 : vector<16xf32>
        %swap3A = arith.constant 0 : i32
        %swap3A_186 = arith.constant 0 : i32
        %swap3A_187 = arith.index_cast %swap3A : i32 to index
        %swap3A_188 = arith.index_cast %swap3A_186 : i32 to index
        %swap3A_189 = arith.index_cast %scan3A_174 : i32 to index
        %swap3A_190 = arith.constant 0 : index
        %swap3A_191 = tpu.vector_load %arg7[%swap3A_187, %swap3A_188, %swap3A_189, %swap3A_190] {strides = array<i32>} : memref<2x2x50x128xf32, #tpu.memory_space<vmem>>, vector<1x1x1x16xf32>,
        %swap3A_192 = vector.shape_cast %swap3A_191 : vector<1x1x1x16xf32> to vector<16xf32>
        %swap3A_193 = vector.shape_cast %mul3A_185 : vector<16xf32> to vector<1x1x1x16xf32>
        tpu.vector_store %arg7[%swap3A_187, %swap3A_188, %swap3A_189, %swap3A_190], %swap3A_193 {strides = array<i32>} : memref<2x2x50x128xf32, #tpu.memory_space<vmem>>, vector<1x1x1x16xf32>,
        %add3A_194 = arith.constant 0 : i32
        %add3A_195 = arith.addi %add3A_194, %scan3A_174 : i32
        %get3A_196 = arith.constant 0 : i32
        %get3A_197 = arith.index_cast %get3A_196 : i32 to index
        %get3A_198 = arith.index_cast %add3A_195 : i32 to index
        %get3A_199 = arith.constant 16 : index
        %get3A_200 = tpu.vector_load %arg6[%get3A_197, %get3A_198, %get3A_199] {strides = array<i32>} : memref<2x100x128xf32, #tpu.memory_space<vmem>>, vector<1x1x16xf32>,
        %get3A_201 = vector.shape_cast %get3A_200 : vector<1x1x16xf32> to vector<16xf32>
        %mul3A_202 = arith.constant 11.3137083 : f32
        %mul3A_203 = vector.broadcast %mul3A_202 : f32 to vector<16xf32>
        %mul3A_204 = arith.mulf %get3A_201, %mul3A_203 : vector<16xf32>
        %swap3A_205 = arith.constant 0 : i32
        %swap3A_206 = arith.constant 0 : i32
        %swap3A_207 = arith.index_cast %swap3A_205 : i32 to index
        %swap3A_208 = arith.index_cast %swap3A_206 : i32 to index
        %swap3A_209 = arith.index_cast %scan3A_174 : i32 to index
        %swap3A_210 = arith.constant 16 : index
        %swap3A_211 = tpu.vector_load %arg7[%swap3A_207, %swap3A_208, %swap3A_209, %swap3A_210] {strides = array<i32>} : memref<2x2x50x128xf32, #tpu.memory_space<vmem>>, vector<1x1x1x16xf32>,
        %swap3A_212 = vector.shape_cast %swap3A_211 : vector<1x1x1x16xf32> to vector<16xf32>
        %swap3A_213 = vector.shape_cast %mul3A_204 : vector<16xf32> to vector<1x1x1x16xf32>
        tpu.vector_store %arg7[%swap3A_207, %swap3A_208, %swap3A_209, %swap3A_210], %swap3A_213 {strides = array<i32>} : memref<2x2x50x128xf32, #tpu.memory_space<vmem>>, vector<1x1x1x16xf32>,
        %add3A_214 = arith.constant 0 : i32
        %add3A_215 = arith.addi %add3A_214, %scan3A_174 : i32
        %get3A_216 = arith.constant 0 : i32
        %get3A_217 = arith.index_cast %get3A_216 : i32 to index
        %get3A_218 = arith.index_cast %add3A_215 : i32 to index
        %get3A_219 = arith.constant 32 : index
        %get3A_220 = tpu.vector_load %arg6[%get3A_217, %get3A_218, %get3A_219] {strides = array<i32>} : memref<2x100x128xf32, #tpu.memory_space<vmem>>, vector<1x1x16xf32>,
        %get3A_221 = vector.shape_cast %get3A_220 : vector<1x1x16xf32> to vector<16xf32>
        %mul3A_222 = arith.constant 11.3137083 : f32
        %mul3A_223 = vector.broadcast %mul3A_222 : f32 to vector<16xf32>
        %mul3A_224 = arith.mulf %get3A_221, %mul3A_223 : vector<16xf32>
        %swap3A_225 = arith.constant 0 : i32
        %swap3A_226 = arith.constant 0 : i32
        %swap3A_227 = arith.index_cast %swap3A_225 : i32 to index
        %swap3A_228 = arith.index_cast %swap3A_226 : i32 to index
        %swap3A_229 = arith.index_cast %scan3A_174 : i32 to index
        %swap3A_230 = arith.constant 32 : index
        %swap3A_231 = tpu.vector_load %arg7[%swap3A_227, %swap3A_228, %swap3A_229, %swap3A_230] {strides = array<i32>} : memref<2x2x50x128xf32, #tpu.memory_space<vmem>>, vector<1x1x1x16xf32>,
        %swap3A_232 = vector.shape_cast %swap3A_231 : vector<1x1x1x16xf32> to vector<16xf32>
        %swap3A_233 = vector.shape_cast %mul3A_224 : vector<16xf32> to vector<1x1x1x16xf32>
        tpu.vector_store %arg7[%swap3A_227, %swap3A_228, %swap3A_229, %swap3A_230], %swap3A_233 {strides = array<i32>} : memref<2x2x50x128xf32, #tpu.memory_space<vmem>>, vector<1x1x1x16xf32>,
        %add3A_234 = arith.constant 0 : i32
        %add3A_235 = arith.addi %add3A_234, %scan3A_174 : i32
        %get3A_236 = arith.constant 0 : i32
        %get3A_237 = arith.index_cast %get3A_236 : i32 to index
        %get3A_238 = arith.index_cast %add3A_235 : i32 to index
        %get3A_239 = arith.constant 48 : index
        %get3A_240 = tpu.vector_load %arg6[%get3A_237, %get3A_238, %get3A_239] {strides = array<i32>} : memref<2x100x128xf32, #tpu.memory_space<vmem>>, vector<1x1x16xf32>,
        %get3A_241 = vector.shape_cast %get3A_240 : vector<1x1x16xf32> to vector<16xf32>
        %mul3A_242 = arith.constant 11.3137083 : f32
        %mul3A_243 = vector.broadcast %mul3A_242 : f32 to vector<16xf32>
        %mul3A_244 = arith.mulf %get3A_241, %mul3A_243 : vector<16xf32>
        %swap3A_245 = arith.constant 0 : i32
        %swap3A_246 = arith.constant 0 : i32
        %swap3A_247 = arith.index_cast %swap3A_245 : i32 to index
        %swap3A_248 = arith.index_cast %swap3A_246 : i32 to index
        %swap3A_249 = arith.index_cast %scan3A_174 : i32 to index
        %swap3A_250 = arith.constant 48 : index
        %swap3A_251 = tpu.vector_load %arg7[%swap3A_247, %swap3A_248, %swap3A_249, %swap3A_250] {strides = array<i32>} : memref<2x2x50x128xf32, #tpu.memory_space<vmem>>, vector<1x1x1x16xf32>,
        %swap3A_252 = vector.shape_cast %swap3A_251 : vector<1x1x1x16xf32> to vector<16xf32>
        %swap3A_253 = vector.shape_cast %mul3A_244 : vector<16xf32> to vector<1x1x1x16xf32>
        tpu.vector_store %arg7[%swap3A_247, %swap3A_248, %swap3A_249, %swap3A_250], %swap3A_253 {strides = array<i32>} : memref<2x2x50x128xf32, #tpu.memory_space<vmem>>, vector<1x1x1x16xf32>,
        %add3A_254 = arith.constant 0 : i32
        %add3A_255 = arith.addi %add3A_254, %scan3A_174 : i32
        %get3A_256 = arith.constant 0 : i32
        %get3A_257 = arith.index_cast %get3A_256 : i32 to index
        %get3A_258 = arith.index_cast %add3A_255 : i32 to index
        %get3A_259 = arith.constant 64 : index
        %get3A_260 = tpu.vector_load %arg6[%get3A_257, %get3A_258, %get3A_259] {strides = array<i32>} : memref<2x100x128xf32, #tpu.memory_space<vmem>>, vector<1x1x16xf32>,
        %get3A_261 = vector.shape_cast %get3A_260 : vector<1x1x16xf32> to vector<16xf32>
        %mul3A_262 = arith.constant 11.3137083 : f32
        %mul3A_263 = vector.broadcast %mul3A_262 : f32 to vector<16xf32>
        %mul3A_264 = arith.mulf %get3A_261, %mul3A_263 : vector<16xf32>
        %swap3A_265 = arith.constant 0 : i32
        %swap3A_266 = arith.constant 0 : i32
        %swap3A_267 = arith.index_cast %swap3A_265 : i32 to index
        %swap3A_268 = arith.index_cast %swap3A_266 : i32 to index
        %swap3A_269 = arith.index_cast %scan3A_174 : i32 to index
        %swap3A_270 = arith.constant 64 : index
        %swap3A_271 = tpu.vector_load %arg7[%swap3A_267, %swap3A_268, %swap3A_269, %swap3A_270] {strides = array<i32>} : memref<2x2x50x128xf32, #tpu.memory_space<vmem>>, vector<1x1x1x16xf32>,
        %swap3A_272 = vector.shape_cast %swap3A_271 : vector<1x1x1x16xf32> to vector<16xf32>
        %swap3A_273 = vector.shape_cast %mul3A_264 : vector<16xf32> to vector<1x1x1x16xf32>
        tpu.vector_store %arg7[%swap3A_267, %swap3A_268, %swap3A_269, %swap3A_270], %swap3A_273 {strides = array<i32>} : memref<2x2x50x128xf32, #tpu.memory_space<vmem>>, vector<1x1x1x16xf32>,
        %add3A_274 = arith.constant 0 : i32
        %add3A_275 = arith.addi %add3A_274, %scan3A_174 : i32
        %get3A_276 = arith.constant 0 : i32
        %get3A_277 = arith.index_cast %get3A_276 : i32 to index
        %get3A_278 = arith.index_cast %add3A_275 : i32 to index
        %get3A_279 = arith.constant 80 : index
        %get3A_280 = tpu.vector_load %arg6[%get3A_277, %get3A_278, %get3A_279] {strides = array<i32>} : memref<2x100x128xf32, #tpu.memory_space<vmem>>, vector<1x1x16xf32>,
        %get3A_281 = vector.shape_cast %get3A_280 : vector<1x1x16xf32> to vector<16xf32>
        %mul3A_282 = arith.constant 11.3137083 : f32
        %mul3A_283 = vector.broadcast %mul3A_282 : f32 to vector<16xf32>
        %mul3A_284 = arith.mulf %get3A_281, %mul3A_283 : vector<16xf32>
        %swap3A_285 = arith.constant 0 : i32
        %swap3A_286 = arith.constant 0 : i32
        %swap3A_287 = arith.index_cast %swap3A_285 : i32 to index
        %swap3A_288 = arith.index_cast %swap3A_286 : i32 to index
        %swap3A_289 = arith.index_cast %scan3A_174 : i32 to index
        %swap3A_290 = arith.constant 80 : index
        %swap3A_291 = tpu.vector_load %arg7[%swap3A_287, %swap3A_288, %swap3A_289, %swap3A_290] {strides = array<i32>} : memref<2x2x50x128xf32, #tpu.memory_space<vmem>>, vector<1x1x1x16xf32>,
        %swap3A_292 = vector.shape_cast %swap3A_291 : vector<1x1x1x16xf32> to vector<16xf32>
        %swap3A_293 = vector.shape_cast %mul3A_284 : vector<16xf32> to vector<1x1x1x16xf32>
        tpu.vector_store %arg7[%swap3A_287, %swap3A_288, %swap3A_289, %swap3A_290], %swap3A_293 {strides = array<i32>} : memref<2x2x50x128xf32, #tpu.memory_space<vmem>>, vector<1x1x1x16xf32>,
        %add3A_294 = arith.constant 0 : i32
        %add3A_295 = arith.addi %add3A_294, %scan3A_174 : i32
        %get3A_296 = arith.constant 0 : i32
        %get3A_297 = arith.index_cast %get3A_296 : i32 to index
        %get3A_298 = arith.index_cast %add3A_295 : i32 to index
        %get3A_299 = arith.constant 96 : index
        %get3A_300 = tpu.vector_load %arg6[%get3A_297, %get3A_298, %get3A_299] {strides = array<i32>} : memref<2x100x128xf32, #tpu.memory_space<vmem>>, vector<1x1x16xf32>,
        %get3A_301 = vector.shape_cast %get3A_300 : vector<1x1x16xf32> to vector<16xf32>
        %mul3A_302 = arith.constant 11.3137083 : f32
        %mul3A_303 = vector.broadcast %mul3A_302 : f32 to vector<16xf32>
        %mul3A_304 = arith.mulf %get3A_301, %mul3A_303 : vector<16xf32>
        %swap3A_305 = arith.constant 0 : i32
        %swap3A_306 = arith.constant 0 : i32
        %swap3A_307 = arith.index_cast %swap3A_305 : i32 to index
        %swap3A_308 = arith.index_cast %swap3A_306 : i32 to index
        %swap3A_309 = arith.index_cast %scan3A_174 : i32 to index
        %swap3A_310 = arith.constant 96 : index
        %swap3A_311 = tpu.vector_load %arg7[%swap3A_307, %swap3A_308, %swap3A_309, %swap3A_310] {strides = array<i32>} : memref<2x2x50x128xf32, #tpu.memory_space<vmem>>, vector<1x1x1x16xf32>,
        %swap3A_312 = vector.shape_cast %swap3A_311 : vector<1x1x1x16xf32> to vector<16xf32>
        %swap3A_313 = vector.shape_cast %mul3A_304 : vector<16xf32> to vector<1x1x1x16xf32>
        tpu.vector_store %arg7[%swap3A_307, %swap3A_308, %swap3A_309, %swap3A_310], %swap3A_313 {strides = array<i32>} : memref<2x2x50x128xf32, #tpu.memory_space<vmem>>, vector<1x1x1x16xf32>,
        %add3A_314 = arith.constant 0 : i32
        %add3A_315 = arith.addi %add3A_314, %scan3A_174 : i32
        %get3A_316 = arith.constant 0 : i32
        %get3A_317 = arith.index_cast %get3A_316 : i32 to index
        %get3A_318 = arith.index_cast %add3A_315 : i32 to index
        %get3A_319 = arith.constant 112 : index
        %get3A_320 = tpu.vector_load %arg6[%get3A_317, %get3A_318, %get3A_319] {strides = array<i32>} : memref<2x100x128xf32, #tpu.memory_space<vmem>>, vector<1x1x16xf32>,
        %get3A_321 = vector.shape_cast %get3A_320 : vector<1x1x16xf32> to vector<16xf32>
        %mul3A_322 = arith.constant 11.3137083 : f32
        %mul3A_323 = vector.broadcast %mul3A_322 : f32 to vector<16xf32>
        %mul3A_324 = arith.mulf %get3A_321, %mul3A_323 : vector<16xf32>
        %swap3A_325 = arith.constant 0 : i32
        %swap3A_326 = arith.constant 0 : i32
        %swap3A_327 = arith.index_cast %swap3A_325 : i32 to index
        %swap3A_328 = arith.index_cast %swap3A_326 : i32 to index
        %swap3A_329 = arith.index_cast %scan3A_174 : i32 to index
        %swap3A_330 = arith.constant 112 : index
        %swap3A_331 = tpu.vector_load %arg7[%swap3A_327, %swap3A_328, %swap3A_329, %swap3A_330] {strides = array<i32>} : memref<2x2x50x128xf32, #tpu.memory_space<vmem>>, vector<1x1x1x16xf32>,
        %swap3A_332 = vector.shape_cast %swap3A_331 : vector<1x1x1x16xf32> to vector<16xf32>
        %swap3A_333 = vector.shape_cast %mul3A_324 : vector<16xf32> to vector<1x1x1x16xf32>
        tpu.vector_store %arg7[%swap3A_327, %swap3A_328, %swap3A_329, %swap3A_330], %swap3A_333 {strides = array<i32>} : memref<2x2x50x128xf32, #tpu.memory_space<vmem>>, vector<1x1x1x16xf32>,
        %add3A_334 = arith.constant 50 : i32
        %add3A_335 = arith.addi %add3A_334, %scan3A_174 : i32
        %get3A_336 = arith.constant 0 : i32
        %get3A_337 = arith.index_cast %get3A_336 : i32 to index
        %get3A_338 = arith.index_cast %add3A_335 : i32 to index
        %get3A_339 = arith.constant 0 : index
        %get3A_340 = tpu.vector_load %arg6[%get3A_337, %get3A_338, %get3A_339] {strides = array<i32>} : memref<2x100x128xf32, #tpu.memory_space<vmem>>, vector<1x1x16xf32>,
        %get3A_341 = vector.shape_cast %get3A_340 : vector<1x1x16xf32> to vector<16xf32>
        %mul3A_342 = arith.constant 11.3137083 : f32
        %mul3A_343 = vector.broadcast %mul3A_342 : f32 to vector<16xf32>
        %mul3A_344 = arith.mulf %get3A_341, %mul3A_343 : vector<16xf32>
        %swap3A_345 = arith.constant 0 : i32
        %swap3A_346 = arith.constant 1 : i32
        %swap3A_347 = arith.index_cast %swap3A_345 : i32 to index
        %swap3A_348 = arith.index_cast %swap3A_346 : i32 to index
        %swap3A_349 = arith.index_cast %scan3A_174 : i32 to index
        %swap3A_350 = arith.constant 0 : index
        %swap3A_351 = tpu.vector_load %arg7[%swap3A_347, %swap3A_348, %swap3A_349, %swap3A_350] {strides = array<i32>} : memref<2x2x50x128xf32, #tpu.memory_space<vmem>>, vector<1x1x1x16xf32>,
        %swap3A_352 = vector.shape_cast %swap3A_351 : vector<1x1x1x16xf32> to vector<16xf32>
        %swap3A_353 = vector.shape_cast %mul3A_344 : vector<16xf32> to vector<1x1x1x16xf32>
        tpu.vector_store %arg7[%swap3A_347, %swap3A_348, %swap3A_349, %swap3A_350], %swap3A_353 {strides = array<i32>} : memref<2x2x50x128xf32, #tpu.memory_space<vmem>>, vector<1x1x1x16xf32>,
        %add3A_354 = arith.constant 50 : i32
        %add3A_355 = arith.addi %add3A_354, %scan3A_174 : i32
        %get3A_356 = arith.constant 0 : i32
        %get3A_357 = arith.index_cast %get3A_356 : i32 to index
        %get3A_358 = arith.index_cast %add3A_355 : i32 to index
        %get3A_359 = arith.constant 16 : index
        %get3A_360 = tpu.vector_load %arg6[%get3A_357, %get3A_358, %get3A_359] {strides = array<i32>} : memref<2x100x128xf32, #tpu.memory_space<vmem>>, vector<1x1x16xf32>,
        %get3A_361 = vector.shape_cast %get3A_360 : vector<1x1x16xf32> to vector<16xf32>
        %mul3A_362 = arith.constant 11.3137083 : f32
        %mul3A_363 = vector.broadcast %mul3A_362 : f32 to vector<16xf32>
        %mul3A_364 = arith.mulf %get3A_361, %mul3A_363 : vector<16xf32>
        %swap3A_365 = arith.constant 0 : i32
        %swap3A_366 = arith.constant 1 : i32
        %swap3A_367 = arith.index_cast %swap3A_365 : i32 to index
        %swap3A_368 = arith.index_cast %swap3A_366 : i32 to index
        %swap3A_369 = arith.index_cast %scan3A_174 : i32 to index
        %swap3A_370 = arith.constant 16 : index
        %swap3A_371 = tpu.vector_load %arg7[%swap3A_367, %swap3A_368, %swap3A_369, %swap3A_370] {strides = array<i32>} : memref<2x2x50x128xf32, #tpu.memory_space<vmem>>, vector<1x1x1x16xf32>,
        %swap3A_372 = vector.shape_cast %swap3A_371 : vector<1x1x1x16xf32> to vector<16xf32>
        %swap3A_373 = vector.shape_cast %mul3A_364 : vector<16xf32> to vector<1x1x1x16xf32>
        tpu.vector_store %arg7[%swap3A_367, %swap3A_368, %swap3A_369, %swap3A_370], %swap3A_373 {strides = array<i32>} : memref<2x2x50x128xf32, #tpu.memory_space<vmem>>, vector<1x1x1x16xf32>,
        %add3A_374 = arith.constant 50 : i32
        %add3A_375 = arith.addi %add3A_374, %scan3A_174 : i32
        %get3A_376 = arith.constant 0 : i32
        %get3A_377 = arith.index_cast %get3A_376 : i32 to index
        %get3A_378 = arith.index_cast %add3A_375 : i32 to index
        %get3A_379 = arith.constant 32 : index
        %get3A_380 = tpu.vector_load %arg6[%get3A_377, %get3A_378, %get3A_379] {strides = array<i32>} : memref<2x100x128xf32, #tpu.memory_space<vmem>>, vector<1x1x16xf32>,
        %get3A_381 = vector.shape_cast %get3A_380 : vector<1x1x16xf32> to vector<16xf32>
        %mul3A_382 = arith.constant 11.3137083 : f32
        %mul3A_383 = vector.broadcast %mul3A_382 : f32 to vector<16xf32>
        %mul3A_384 = arith.mulf %get3A_381, %mul3A_383 : vector<16xf32>
        %swap3A_385 = arith.constant 0 : i32
        %swap3A_386 = arith.constant 1 : i32
        %swap3A_387 = arith.index_cast %swap3A_385 : i32 to index
        %swap3A_388 = arith.index_cast %swap3A_386 : i32 to index
        %swap3A_389 = arith.index_cast %scan3A_174 : i32 to index
        %swap3A_390 = arith.constant 32 : index
        %swap3A_391 = tpu.vector_load %arg7[%swap3A_387, %swap3A_388, %swap3A_389, %swap3A_390] {strides = array<i32>} : memref<2x2x50x128xf32, #tpu.memory_space<vmem>>, vector<1x1x1x16xf32>,
        %swap3A_392 = vector.shape_cast %swap3A_391 : vector<1x1x1x16xf32> to vector<16xf32>
        %swap3A_393 = vector.shape_cast %mul3A_384 : vector<16xf32> to vector<1x1x1x16xf32>
        tpu.vector_store %arg7[%swap3A_387, %swap3A_388, %swap3A_389, %swap3A_390], %swap3A_393 {strides = array<i32>} : memref<2x2x50x128xf32, #tpu.memory_space<vmem>>, vector<1x1x1x16xf32>,
        %add3A_394 = arith.constant 50 : i32
        %add3A_395 = arith.addi %add3A_394, %scan3A_174 : i32
        %get3A_396 = arith.constant 0 : i32
        %get3A_397 = arith.index_cast %get3A_396 : i32 to index
        %get3A_398 = arith.index_cast %add3A_395 : i32 to index
        %get3A_399 = arith.constant 48 : index
        %get3A_400 = tpu.vector_load %arg6[%get3A_397, %get3A_398, %get3A_399] {strides = array<i32>} : memref<2x100x128xf32, #tpu.memory_space<vmem>>, vector<1x1x16xf32>,
        %get3A_401 = vector.shape_cast %get3A_400 : vector<1x1x16xf32> to vector<16xf32>
        %mul3A_402 = arith.constant 11.3137083 : f32
        %mul3A_403 = vector.broadcast %mul3A_402 : f32 to vector<16xf32>
        %mul3A_404 = arith.mulf %get3A_401, %mul3A_403 : vector<16xf32>
        %swap3A_405 = arith.constant 0 : i32
        %swap3A_406 = arith.constant 1 : i32
        %swap3A_407 = arith.index_cast %swap3A_405 : i32 to index
        %swap3A_408 = arith.index_cast %swap3A_406 : i32 to index
        %swap3A_409 = arith.index_cast %scan3A_174 : i32 to index
        %swap3A_410 = arith.constant 48 : index
        %swap3A_411 = tpu.vector_load %arg7[%swap3A_407, %swap3A_408, %swap3A_409, %swap3A_410] {strides = array<i32>} : memref<2x2x50x128xf32, #tpu.memory_space<vmem>>, vector<1x1x1x16xf32>,
        %swap3A_412 = vector.shape_cast %swap3A_411 : vector<1x1x1x16xf32> to vector<16xf32>
        %swap3A_413 = vector.shape_cast %mul3A_404 : vector<16xf32> to vector<1x1x1x16xf32>
        tpu.vector_store %arg7[%swap3A_407, %swap3A_408, %swap3A_409, %swap3A_410], %swap3A_413 {strides = array<i32>} : memref<2x2x50x128xf32, #tpu.memory_space<vmem>>, vector<1x1x1x16xf32>,
        %add3A_414 = arith.constant 50 : i32
        %add3A_415 = arith.addi %add3A_414, %scan3A_174 : i32
        %get3A_416 = arith.constant 0 : i32
        %get3A_417 = arith.index_cast %get3A_416 : i32 to index
        %get3A_418 = arith.index_cast %add3A_415 : i32 to index
        %get3A_419 = arith.constant 64 : index
        %get3A_420 = tpu.vector_load %arg6[%get3A_417, %get3A_418, %get3A_419] {strides = array<i32>} : memref<2x100x128xf32, #tpu.memory_space<vmem>>, vector<1x1x16xf32>,
        %get3A_421 = vector.shape_cast %get3A_420 : vector<1x1x16xf32> to vector<16xf32>
        %mul3A_422 = arith.constant 11.3137083 : f32
        %mul3A_423 = vector.broadcast %mul3A_422 : f32 to vector<16xf32>
        %mul3A_424 = arith.mulf %get3A_421, %mul3A_423 : vector<16xf32>
        %swap3A_425 = arith.constant 0 : i32
        %swap3A_426 = arith.constant 1 : i32
        %swap3A_427 = arith.index_cast %swap3A_425 : i32 to index
        %swap3A_428 = arith.index_cast %swap3A_426 : i32 to index
        %swap3A_429 = arith.index_cast %scan3A_174 : i32 to index
        %swap3A_430 = arith.constant 64 : index
        %swap3A_431 = tpu.vector_load %arg7[%swap3A_427, %swap3A_428, %swap3A_429, %swap3A_430] {strides = array<i32>} : memref<2x2x50x128xf32, #tpu.memory_space<vmem>>, vector<1x1x1x16xf32>,
        %swap3A_432 = vector.shape_cast %swap3A_431 : vector<1x1x1x16xf32> to vector<16xf32>
        %swap3A_433 = vector.shape_cast %mul3A_424 : vector<16xf32> to vector<1x1x1x16xf32>
        tpu.vector_store %arg7[%swap3A_427, %swap3A_428, %swap3A_429, %swap3A_430], %swap3A_433 {strides = array<i32>} : memref<2x2x50x128xf32, #tpu.memory_space<vmem>>, vector<1x1x1x16xf32>,
        %add3A_434 = arith.constant 50 : i32
        %add3A_435 = arith.addi %add3A_434, %scan3A_174 : i32
        %get3A_436 = arith.constant 0 : i32
        %get3A_437 = arith.index_cast %get3A_436 : i32 to index
        %get3A_438 = arith.index_cast %add3A_435 : i32 to index
        %get3A_439 = arith.constant 80 : index
        %get3A_440 = tpu.vector_load %arg6[%get3A_437, %get3A_438, %get3A_439] {strides = array<i32>} : memref<2x100x128xf32, #tpu.memory_space<vmem>>, vector<1x1x16xf32>,
        %get3A_441 = vector.shape_cast %get3A_440 : vector<1x1x16xf32> to vector<16xf32>
        %mul3A_442 = arith.constant 11.3137083 : f32
        %mul3A_443 = vector.broadcast %mul3A_442 : f32 to vector<16xf32>
        %mul3A_444 = arith.mulf %get3A_441, %mul3A_443 : vector<16xf32>
        %swap3A_445 = arith.constant 0 : i32
        %swap3A_446 = arith.constant 1 : i32
        %swap3A_447 = arith.index_cast %swap3A_445 : i32 to index
        %swap3A_448 = arith.index_cast %swap3A_446 : i32 to index
        %swap3A_449 = arith.index_cast %scan3A_174 : i32 to index
        %swap3A_450 = arith.constant 80 : index
        %swap3A_451 = tpu.vector_load %arg7[%swap3A_447, %swap3A_448, %swap3A_449, %swap3A_450] {strides = array<i32>} : memref<2x2x50x128xf32, #tpu.memory_space<vmem>>, vector<1x1x1x16xf32>,
        %swap3A_452 = vector.shape_cast %swap3A_451 : vector<1x1x1x16xf32> to vector<16xf32>
        %swap3A_453 = vector.shape_cast %mul3A_444 : vector<16xf32> to vector<1x1x1x16xf32>
        tpu.vector_store %arg7[%swap3A_447, %swap3A_448, %swap3A_449, %swap3A_450], %swap3A_453 {strides = array<i32>} : memref<2x2x50x128xf32, #tpu.memory_space<vmem>>, vector<1x1x1x16xf32>,
        %add3A_454 = arith.constant 50 : i32
        %add3A_455 = arith.addi %add3A_454, %scan3A_174 : i32
        %get3A_456 = arith.constant 0 : i32
        %get3A_457 = arith.index_cast %get3A_456 : i32 to index
        %get3A_458 = arith.index_cast %add3A_455 : i32 to index
        %get3A_459 = arith.constant 96 : index
        %get3A_460 = tpu.vector_load %arg6[%get3A_457, %get3A_458, %get3A_459] {strides = array<i32>} : memref<2x100x128xf32, #tpu.memory_space<vmem>>, vector<1x1x16xf32>,
        %get3A_461 = vector.shape_cast %get3A_460 : vector<1x1x16xf32> to vector<16xf32>
        %mul3A_462 = arith.constant 11.3137083 : f32
        %mul3A_463 = vector.broadcast %mul3A_462 : f32 to vector<16xf32>
        %mul3A_464 = arith.mulf %get3A_461, %mul3A_463 : vector<16xf32>
        %swap3A_465 = arith.constant 0 : i32
        %swap3A_466 = arith.constant 1 : i32
        %swap3A_467 = arith.index_cast %swap3A_465 : i32 to index
        %swap3A_468 = arith.index_cast %swap3A_466 : i32 to index
        %swap3A_469 = arith.index_cast %scan3A_174 : i32 to index
        %swap3A_470 = arith.constant 96 : index
        %swap3A_471 = tpu.vector_load %arg7[%swap3A_467, %swap3A_468, %swap3A_469, %swap3A_470] {strides = array<i32>} : memref<2x2x50x128xf32, #tpu.memory_space<vmem>>, vector<1x1x1x16xf32>,
        %swap3A_472 = vector.shape_cast %swap3A_471 : vector<1x1x1x16xf32> to vector<16xf32>
        %swap3A_473 = vector.shape_cast %mul3A_464 : vector<16xf32> to vector<1x1x1x16xf32>
        tpu.vector_store %arg7[%swap3A_467, %swap3A_468, %swap3A_469, %swap3A_470], %swap3A_473 {strides = array<i32>} : memref<2x2x50x128xf32, #tpu.memory_space<vmem>>, vector<1x1x1x16xf32>,
        %add3A_474 = arith.constant 50 : i32
        %add3A_475 = arith.addi %add3A_474, %scan3A_174 : i32
        %get3A_476 = arith.constant 0 : i32
        %get3A_477 = arith.index_cast %get3A_476 : i32 to index
        %get3A_478 = arith.index_cast %add3A_475 : i32 to index
        %get3A_479 = arith.constant 112 : index
        %get3A_480 = tpu.vector_load %arg6[%get3A_477, %get3A_478, %get3A_479] {strides = array<i32>} : memref<2x100x128xf32, #tpu.memory_space<vmem>>, vector<1x1x16xf32>,
        %get3A_481 = vector.shape_cast %get3A_480 : vector<1x1x16xf32> to vector<16xf32>
        %mul3A_482 = arith.constant 11.3137083 : f32
        %mul3A_483 = vector.broadcast %mul3A_482 : f32 to vector<16xf32>
        %mul3A_484 = arith.mulf %get3A_481, %mul3A_483 : vector<16xf32>
        %swap3A_485 = arith.constant 0 : i32
        %swap3A_486 = arith.constant 1 : i32
        %swap3A_487 = arith.index_cast %swap3A_485 : i32 to index
        %swap3A_488 = arith.index_cast %swap3A_486 : i32 to index
        %swap3A_489 = arith.index_cast %scan3A_174 : i32 to index
        %swap3A_490 = arith.constant 112 : index
        %swap3A_491 = tpu.vector_load %arg7[%swap3A_487, %swap3A_488, %swap3A_489, %swap3A_490] {strides = array<i32>} : memref<2x2x50x128xf32, #tpu.memory_space<vmem>>, vector<1x1x1x16xf32>,
        %swap3A_492 = vector.shape_cast %swap3A_491 : vector<1x1x1x16xf32> to vector<16xf32>
        %swap3A_493 = vector.shape_cast %mul3A_484 : vector<16xf32> to vector<1x1x1x16xf32>
        tpu.vector_store %arg7[%swap3A_487, %swap3A_488, %swap3A_489, %swap3A_490], %swap3A_493 {strides = array<i32>} : memref<2x2x50x128xf32, #tpu.memory_space<vmem>>, vector<1x1x1x16xf32>,
        %scan3A_494 = arith.constant 0 : i32
        scf.yield %scan3A_494 : i32
      }
      %scan3A_94 = arith.constant 50 : i32
      %add3A_95 = arith.constant 2 : i32
      %add3A_96 = arith.addi %add3A_74, %add3A_95 : i32
      %lt3A = arith.constant 64 : i32
      %lt3A_97 = arith.cmpi slt, %add3A_96, %lt3A : i32
      %convert_element_type3A_98 = arith.extui %lt3A_97 : i1 to i32
      %cond3A_99 = arith.constant 0 : i32
      %cond3A_100 = arith.cmpi ne, %convert_element_type3A_98, %cond3A_99 : i32
      scf.if %cond3A_100 {
        %add3A_174 = arith.constant 2 : i32
        %add3A_175 = arith.addi %add3A_74, %add3A_174 : i32
        %dma_start3A_176 = arith.constant 0 : i32
        %dma_start3A_177 = arith.constant 0 : i32
        %dma_start3A_178 = arith.constant 0 : i32
        %dma_start3A_179 = tpu.memref_slice %arg6[%dma_start3A_176, %dma_start3A_177, %dma_start3A_178] : memref<2x100x128xf32, #tpu.memory_space<vmem>> -> memref<1x100x128xf32, #tpu.memory_space<vmem>>
        %dma_start3A_180 = tpu.memref_squeeze %dma_start3A_179 : memref<1x100x128xf32, #tpu.memory_space<vmem>> -> memref<100x128xf32, #tpu.memory_space<vmem>>
        %dma_start3A_181 = arith.constant 0 : i32
        %dma_start3A_182 = tpu.memref_slice %arg5[%add3A_175, %dma_start3A_181] : memref<64x100xi32, #tpu.memory_space<vmem>> -> memref<1x100xi32, #tpu.memory_space<vmem>>
        %dma_start3A_183 = tpu.memref_squeeze %dma_start3A_182 : memref<1x100xi32, #tpu.memory_space<vmem>> -> memref<100xi32, #tpu.memory_space<vmem>>
        %dma_start3A_184 = arith.constant 0 : i32
        %dma_start3A_185 = arith.constant 0 : i32
        %dma_start3A_186 = tpu.memref_slice %arg3[%dma_start3A_184, %dma_start3A_185] : memref<100000x128xf32, #tpu.memory_space<hbm>> -> memref<100000x128xf32, #tpu.memory_space<hbm>>
        tpu.enqueue_indirect_dma source(%dma_start3A_186 : memref<100000x128xf32, #tpu.memory_space<hbm>>) target(%dma_start3A_180 : memref<100x128xf32, #tpu.memory_space<vmem>>) offsets(%dma_start3A_183 : memref<100xi32, #tpu.memory_space<vmem>>) semaphore(%arg8 : memref<!tpu.dma_semaphore, #tpu.memory_space<semaphore_mem>>)
      } else {
      }
      %mul3A_101 = arith.constant 2 : i32
      %mul3A_102 = arith.muli %add3A_74, %mul3A_101 : i32
      %add3A_103 = arith.addi %mul3A_2, %mul3A_102 : i32
      %dma_start3A_104 = arith.constant 0 : i32
      %dma_start3A_105 = arith.constant 0 : i32
      %dma_start3A_106 = arith.constant 0 : i32
      %dma_start3A_107 = arith.constant 0 : i32
      %dma_start3A_108 = tpu.memref_slice %arg7[%dma_start3A_104, %dma_start3A_105, %dma_start3A_106, %dma_start3A_107] : memref<2x2x50x128xf32, #tpu.memory_space<vmem>> -> memref<1x2x50x128xf32, #tpu.memory_space<vmem>>
      %dma_start3A_109 = tpu.memref_squeeze %dma_start3A_108 : memref<1x2x50x128xf32, #tpu.memory_space<vmem>> -> memref<2x50x128xf32, #tpu.memory_space<vmem>>
      %dma_start3A_110 = arith.constant 0 : i32
      %dma_start3A_111 = arith.constant 0 : i32
      %dma_start3A_112 = tpu.memref_slice %arg4[%add3A_103, %dma_start3A_110, %dma_start3A_111] : memref<4096x50x128xf32, #tpu.memory_space<hbm>> -> memref<2x50x128xf32, #tpu.memory_space<hbm>>
      %dma_start3A_113 = arith.constant 0 : i32
      %dma_start3A_114 = arith.constant 0 : i32
      %dma_start3A_115 = tpu.memref_slice %arg4[%add3A_103, %dma_start3A_113, %dma_start3A_114] : memref<4096x50x128xf32, #tpu.memory_space<hbm>> -> memref<2x50x128xf32, #tpu.memory_space<hbm>>
      %dma_start3A_116 = arith.constant 0 : i32
      %dma_start3A_117 = arith.constant 0 : i32
      %dma_start3A_118 = arith.constant 0 : i32
      %dma_start3A_119 = tpu.memref_slice %arg7[%dma_start3A_104, %dma_start3A_116, %dma_start3A_117, %dma_start3A_118] : memref<2x2x50x128xf32, #tpu.memory_space<vmem>> -> memref<1x2x50x128xf32, #tpu.memory_space<vmem>>
      %dma_start3A_120 = tpu.memref_squeeze %dma_start3A_119 : memref<1x2x50x128xf32, #tpu.memory_space<vmem>> -> memref<2x50x128xf32, #tpu.memory_space<vmem>>
      tpu.enqueue_dma source(%dma_start3A_120 : memref<2x50x128xf32, #tpu.memory_space<vmem>>) target(%dma_start3A_115 : memref<2x50x128xf32, #tpu.memory_space<hbm>>) target_semaphore(%arg9 : memref<!tpu.dma_semaphore, #tpu.memory_space<semaphore_mem>>)
      %add3A_121 = arith.constant 1 : i32
      %add3A_122 = arith.addi %mul3A_72, %add3A_121 : i32
      %dma_wait3A_123 = arith.constant 1 : i32
      %dma_wait3A_124 = arith.constant 0 : i32
      %dma_wait3A_125 = arith.constant 0 : i32
      %dma_wait3A_126 = tpu.memref_slice %arg6[%dma_wait3A_123, %dma_wait3A_124, %dma_wait3A_125] : memref<2x100x128xf32, #tpu.memory_space<vmem>> -> memref<1x100x128xf32, #tpu.memory_space<vmem>>
      %dma_wait3A_127 = tpu.memref_squeeze %dma_wait3A_126 : memref<1x100x128xf32, #tpu.memory_space<vmem>> -> memref<100x128xf32, #tpu.memory_space<vmem>>
      %dma_wait3A_128 = arith.constant 0 : i32
      %dma_wait3A_129 = tpu.memref_slice %arg5[%add3A_122, %dma_wait3A_128] : memref<64x100xi32, #tpu.memory_space<vmem>> -> memref<1x100xi32, #tpu.memory_space<vmem>>
      %dma_wait3A_130 = tpu.memref_squeeze %dma_wait3A_129 : memref<1x100xi32, #tpu.memory_space<vmem>> -> memref<100xi32, #tpu.memory_space<vmem>>
      %dma_wait3A_131 = arith.constant 0 : i32
      %dma_wait3A_132 = arith.constant 0 : i32
      %dma_wait3A_133 = tpu.memref_slice %arg3[%dma_wait3A_131, %dma_wait3A_132] : memref<100000x128xf32, #tpu.memory_space<hbm>> -> memref<100000x128xf32, #tpu.memory_space<hbm>>
      tpu.wait_indirect_dma semaphore(%arg8 : memref<!tpu.dma_semaphore, #tpu.memory_space<semaphore_mem>>) src(%dma_wait3A_133 : memref<100000x128xf32, #tpu.memory_space<hbm>>) dst(%dma_wait3A_127 : memref<100x128xf32, #tpu.memory_space<vmem>>)
      %ge3A_134 = arith.constant 2 : i32
      %ge3A_135 = arith.cmpi sge, %add3A_122, %ge3A_134 : i32
      %convert_element_type3A_136 = arith.extui %ge3A_135 : i1 to i32
      %cond3A_137 = arith.constant 0 : i32
      %cond3A_138 = arith.cmpi ne, %convert_element_type3A_136, %cond3A_137 : i32
      scf.if %cond3A_138 {
        %sub3A = arith.constant 2 : i32
        %sub3A_174 = arith.subi %add3A_122, %sub3A : i32
        %mul3A_175 = arith.constant 2 : i32
        %mul3A_176 = arith.muli %sub3A_174, %mul3A_175 : i32
        %add3A_177 = arith.addi %mul3A_2, %mul3A_176 : i32
        %dma_wait3A_178 = arith.constant 1 : i32
        %dma_wait3A_179 = arith.constant 0 : i32
        %dma_wait3A_180 = arith.constant 0 : i32
        %dma_wait3A_181 = arith.constant 0 : i32
        %dma_wait3A_182 = tpu.memref_slice %arg7[%dma_wait3A_178, %dma_wait3A_179, %dma_wait3A_180, %dma_wait3A_181] : memref<2x2x50x128xf32, #tpu.memory_space<vmem>> -> memref<1x2x50x128xf32, #tpu.memory_space<vmem>>
        %dma_wait3A_183 = tpu.memref_squeeze %dma_wait3A_182 : memref<1x2x50x128xf32, #tpu.memory_space<vmem>> -> memref<2x50x128xf32, #tpu.memory_space<vmem>>
        %dma_wait3A_184 = arith.constant 0 : i32
        %dma_wait3A_185 = arith.constant 0 : i32
        %dma_wait3A_186 = tpu.memref_slice %arg4[%add3A_177, %dma_wait3A_184, %dma_wait3A_185] : memref<4096x50x128xf32, #tpu.memory_space<hbm>> -> memref<2x50x128xf32, #tpu.memory_space<hbm>>
        %dma_wait3A_187 = arith.constant 0 : i32
        %dma_wait3A_188 = arith.constant 0 : i32
        %dma_wait3A_189 = tpu.memref_slice %arg4[%add3A_177, %dma_wait3A_187, %dma_wait3A_188] : memref<4096x50x128xf32, #tpu.memory_space<hbm>> -> memref<2x50x128xf32, #tpu.memory_space<hbm>>
        %dma_wait3A_190 = arith.constant 0 : i32
        %dma_wait3A_191 = arith.constant 0 : i32
        %dma_wait3A_192 = arith.constant 0 : i32
        %dma_wait3A_193 = tpu.memref_slice %arg7[%dma_wait3A_178, %dma_wait3A_190, %dma_wait3A_191, %dma_wait3A_192] : memref<2x2x50x128xf32, #tpu.memory_space<vmem>> -> memref<1x2x50x128xf32, #tpu.memory_space<vmem>>
        %dma_wait3A_194 = tpu.memref_squeeze %dma_wait3A_193 : memref<1x2x50x128xf32, #tpu.memory_space<vmem>> -> memref<2x50x128xf32, #tpu.memory_space<vmem>>
        tpu.wait_dma2 semaphore(%arg9 : memref<!tpu.dma_semaphore, #tpu.memory_space<semaphore_mem>>) src(%dma_wait3A_194 : memref<2x50x128xf32, #tpu.memory_space<vmem>>) dst(%dma_wait3A_189 : memref<2x50x128xf32, #tpu.memory_space<hbm>>)
      } else {
      }
      %scan3A_139 = arith.constant 0 : i32
      %scan3A_140 = arith.constant 0 : i32
      %scan3A_141 = arith.constant 50 : i32
      %scan3A_142 = arith.addi %scan3A_140, %scan3A_141 : i32
      %scan3A_143 = arith.constant 1 : i32
      %scan3A_144 = scf.for %scan3A_174 = %scan3A_140 to %scan3A_142 step %scan3A_143 iter_args(%scan3A_175 = %scan3A_139) -> (i32)  : i32 {
        %add3A_176 = arith.constant 0 : i32
        %add3A_177 = arith.addi %add3A_176, %scan3A_174 : i32
        %get3A = arith.constant 1 : i32
        %get3A_178 = arith.index_cast %get3A : i32 to index
        %get3A_179 = arith.index_cast %add3A_177 : i32 to index
        %get3A_180 = arith.constant 0 : index
        %get3A_181 = tpu.vector_load %arg6[%get3A_178, %get3A_179, %get3A_180] {strides = array<i32>} : memref<2x100x128xf32, #tpu.memory_space<vmem>>, vector<1x1x16xf32>,
        %get3A_182 = vector.shape_cast %get3A_181 : vector<1x1x16xf32> to vector<16xf32>
        %mul3A_183 = arith.constant 11.3137083 : f32
        %mul3A_184 = vector.broadcast %mul3A_183 : f32 to vector<16xf32>
        %mul3A_185 = arith.mulf %get3A_182, %mul3A_184 : vector<16xf32>
        %swap3A = arith.constant 1 : i32
        %swap3A_186 = arith.constant 0 : i32
        %swap3A_187 = arith.index_cast %swap3A : i32 to index
        %swap3A_188 = arith.index_cast %swap3A_186 : i32 to index
        %swap3A_189 = arith.index_cast %scan3A_174 : i32 to index
        %swap3A_190 = arith.constant 0 : index
        %swap3A_191 = tpu.vector_load %arg7[%swap3A_187, %swap3A_188, %swap3A_189, %swap3A_190] {strides = array<i32>} : memref<2x2x50x128xf32, #tpu.memory_space<vmem>>, vector<1x1x1x16xf32>,
        %swap3A_192 = vector.shape_cast %swap3A_191 : vector<1x1x1x16xf32> to vector<16xf32>
        %swap3A_193 = vector.shape_cast %mul3A_185 : vector<16xf32> to vector<1x1x1x16xf32>
        tpu.vector_store %arg7[%swap3A_187, %swap3A_188, %swap3A_189, %swap3A_190], %swap3A_193 {strides = array<i32>} : memref<2x2x50x128xf32, #tpu.memory_space<vmem>>, vector<1x1x1x16xf32>,
        %add3A_194 = arith.constant 0 : i32
        %add3A_195 = arith.addi %add3A_194, %scan3A_174 : i32
        %get3A_196 = arith.constant 1 : i32
        %get3A_197 = arith.index_cast %get3A_196 : i32 to index
        %get3A_198 = arith.index_cast %add3A_195 : i32 to index
        %get3A_199 = arith.constant 16 : index
        %get3A_200 = tpu.vector_load %arg6[%get3A_197, %get3A_198, %get3A_199] {strides = array<i32>} : memref<2x100x128xf32, #tpu.memory_space<vmem>>, vector<1x1x16xf32>,
        %get3A_201 = vector.shape_cast %get3A_200 : vector<1x1x16xf32> to vector<16xf32>
        %mul3A_202 = arith.constant 11.3137083 : f32
        %mul3A_203 = vector.broadcast %mul3A_202 : f32 to vector<16xf32>
        %mul3A_204 = arith.mulf %get3A_201, %mul3A_203 : vector<16xf32>
        %swap3A_205 = arith.constant 1 : i32
        %swap3A_206 = arith.constant 0 : i32
        %swap3A_207 = arith.index_cast %swap3A_205 : i32 to index
        %swap3A_208 = arith.index_cast %swap3A_206 : i32 to index
        %swap3A_209 = arith.index_cast %scan3A_174 : i32 to index
        %swap3A_210 = arith.constant 16 : index
        %swap3A_211 = tpu.vector_load %arg7[%swap3A_207, %swap3A_208, %swap3A_209, %swap3A_210] {strides = array<i32>} : memref<2x2x50x128xf32, #tpu.memory_space<vmem>>, vector<1x1x1x16xf32>,
        %swap3A_212 = vector.shape_cast %swap3A_211 : vector<1x1x1x16xf32> to vector<16xf32>
        %swap3A_213 = vector.shape_cast %mul3A_204 : vector<16xf32> to vector<1x1x1x16xf32>
        tpu.vector_store %arg7[%swap3A_207, %swap3A_208, %swap3A_209, %swap3A_210], %swap3A_213 {strides = array<i32>} : memref<2x2x50x128xf32, #tpu.memory_space<vmem>>, vector<1x1x1x16xf32>,
        %add3A_214 = arith.constant 0 : i32
        %add3A_215 = arith.addi %add3A_214, %scan3A_174 : i32
        %get3A_216 = arith.constant 1 : i32
        %get3A_217 = arith.index_cast %get3A_216 : i32 to index
        %get3A_218 = arith.index_cast %add3A_215 : i32 to index
        %get3A_219 = arith.constant 32 : index
        %get3A_220 = tpu.vector_load %arg6[%get3A_217, %get3A_218, %get3A_219] {strides = array<i32>} : memref<2x100x128xf32, #tpu.memory_space<vmem>>, vector<1x1x16xf32>,
        %get3A_221 = vector.shape_cast %get3A_220 : vector<1x1x16xf32> to vector<16xf32>
        %mul3A_222 = arith.constant 11.3137083 : f32
        %mul3A_223 = vector.broadcast %mul3A_222 : f32 to vector<16xf32>
        %mul3A_224 = arith.mulf %get3A_221, %mul3A_223 : vector<16xf32>
        %swap3A_225 = arith.constant 1 : i32
        %swap3A_226 = arith.constant 0 : i32
        %swap3A_227 = arith.index_cast %swap3A_225 : i32 to index
        %swap3A_228 = arith.index_cast %swap3A_226 : i32 to index
        %swap3A_229 = arith.index_cast %scan3A_174 : i32 to index
        %swap3A_230 = arith.constant 32 : index
        %swap3A_231 = tpu.vector_load %arg7[%swap3A_227, %swap3A_228, %swap3A_229, %swap3A_230] {strides = array<i32>} : memref<2x2x50x128xf32, #tpu.memory_space<vmem>>, vector<1x1x1x16xf32>,
        %swap3A_232 = vector.shape_cast %swap3A_231 : vector<1x1x1x16xf32> to vector<16xf32>
        %swap3A_233 = vector.shape_cast %mul3A_224 : vector<16xf32> to vector<1x1x1x16xf32>
        tpu.vector_store %arg7[%swap3A_227, %swap3A_228, %swap3A_229, %swap3A_230], %swap3A_233 {strides = array<i32>} : memref<2x2x50x128xf32, #tpu.memory_space<vmem>>, vector<1x1x1x16xf32>,
        %add3A_234 = arith.constant 0 : i32
        %add3A_235 = arith.addi %add3A_234, %scan3A_174 : i32
        %get3A_236 = arith.constant 1 : i32
        %get3A_237 = arith.index_cast %get3A_236 : i32 to index
        %get3A_238 = arith.index_cast %add3A_235 : i32 to index
        %get3A_239 = arith.constant 48 : index
        %get3A_240 = tpu.vector_load %arg6[%get3A_237, %get3A_238, %get3A_239] {strides = array<i32>} : memref<2x100x128xf32, #tpu.memory_space<vmem>>, vector<1x1x16xf32>,
        %get3A_241 = vector.shape_cast %get3A_240 : vector<1x1x16xf32> to vector<16xf32>
        %mul3A_242 = arith.constant 11.3137083 : f32
        %mul3A_243 = vector.broadcast %mul3A_242 : f32 to vector<16xf32>
        %mul3A_244 = arith.mulf %get3A_241, %mul3A_243 : vector<16xf32>
        %swap3A_245 = arith.constant 1 : i32
        %swap3A_246 = arith.constant 0 : i32
        %swap3A_247 = arith.index_cast %swap3A_245 : i32 to index
        %swap3A_248 = arith.index_cast %swap3A_246 : i32 to index
        %swap3A_249 = arith.index_cast %scan3A_174 : i32 to index
        %swap3A_250 = arith.constant 48 : index
        %swap3A_251 = tpu.vector_load %arg7[%swap3A_247, %swap3A_248, %swap3A_249, %swap3A_250] {strides = array<i32>} : memref<2x2x50x128xf32, #tpu.memory_space<vmem>>, vector<1x1x1x16xf32>,
        %swap3A_252 = vector.shape_cast %swap3A_251 : vector<1x1x1x16xf32> to vector<16xf32>
        %swap3A_253 = vector.shape_cast %mul3A_244 : vector<16xf32> to vector<1x1x1x16xf32>
        tpu.vector_store %arg7[%swap3A_247, %swap3A_248, %swap3A_249, %swap3A_250], %swap3A_253 {strides = array<i32>} : memref<2x2x50x128xf32, #tpu.memory_space<vmem>>, vector<1x1x1x16xf32>,
        %add3A_254 = arith.constant 0 : i32
        %add3A_255 = arith.addi %add3A_254, %scan3A_174 : i32
        %get3A_256 = arith.constant 1 : i32
        %get3A_257 = arith.index_cast %get3A_256 : i32 to index
        %get3A_258 = arith.index_cast %add3A_255 : i32 to index
        %get3A_259 = arith.constant 64 : index
        %get3A_260 = tpu.vector_load %arg6[%get3A_257, %get3A_258, %get3A_259] {strides = array<i32>} : memref<2x100x128xf32, #tpu.memory_space<vmem>>, vector<1x1x16xf32>,
        %get3A_261 = vector.shape_cast %get3A_260 : vector<1x1x16xf32> to vector<16xf32>
        %mul3A_262 = arith.constant 11.3137083 : f32
        %mul3A_263 = vector.broadcast %mul3A_262 : f32 to vector<16xf32>
        %mul3A_264 = arith.mulf %get3A_261, %mul3A_263 : vector<16xf32>
        %swap3A_265 = arith.constant 1 : i32
        %swap3A_266 = arith.constant 0 : i32
        %swap3A_267 = arith.index_cast %swap3A_265 : i32 to index
        %swap3A_268 = arith.index_cast %swap3A_266 : i32 to index
        %swap3A_269 = arith.index_cast %scan3A_174 : i32 to index
        %swap3A_270 = arith.constant 64 : index
        %swap3A_271 = tpu.vector_load %arg7[%swap3A_267, %swap3A_268, %swap3A_269, %swap3A_270] {strides = array<i32>} : memref<2x2x50x128xf32, #tpu.memory_space<vmem>>, vector<1x1x1x16xf32>,
        %swap3A_272 = vector.shape_cast %swap3A_271 : vector<1x1x1x16xf32> to vector<16xf32>
        %swap3A_273 = vector.shape_cast %mul3A_264 : vector<16xf32> to vector<1x1x1x16xf32>
        tpu.vector_store %arg7[%swap3A_267, %swap3A_268, %swap3A_269, %swap3A_270], %swap3A_273 {strides = array<i32>} : memref<2x2x50x128xf32, #tpu.memory_space<vmem>>, vector<1x1x1x16xf32>,
        %add3A_274 = arith.constant 0 : i32
        %add3A_275 = arith.addi %add3A_274, %scan3A_174 : i32
        %get3A_276 = arith.constant 1 : i32
        %get3A_277 = arith.index_cast %get3A_276 : i32 to index
        %get3A_278 = arith.index_cast %add3A_275 : i32 to index
        %get3A_279 = arith.constant 80 : index
        %get3A_280 = tpu.vector_load %arg6[%get3A_277, %get3A_278, %get3A_279] {strides = array<i32>} : memref<2x100x128xf32, #tpu.memory_space<vmem>>, vector<1x1x16xf32>,
        %get3A_281 = vector.shape_cast %get3A_280 : vector<1x1x16xf32> to vector<16xf32>
        %mul3A_282 = arith.constant 11.3137083 : f32
        %mul3A_283 = vector.broadcast %mul3A_282 : f32 to vector<16xf32>
        %mul3A_284 = arith.mulf %get3A_281, %mul3A_283 : vector<16xf32>
        %swap3A_285 = arith.constant 1 : i32
        %swap3A_286 = arith.constant 0 : i32
        %swap3A_287 = arith.index_cast %swap3A_285 : i32 to index
        %swap3A_288 = arith.index_cast %swap3A_286 : i32 to index
        %swap3A_289 = arith.index_cast %scan3A_174 : i32 to index
        %swap3A_290 = arith.constant 80 : index
        %swap3A_291 = tpu.vector_load %arg7[%swap3A_287, %swap3A_288, %swap3A_289, %swap3A_290] {strides = array<i32>} : memref<2x2x50x128xf32, #tpu.memory_space<vmem>>, vector<1x1x1x16xf32>,
        %swap3A_292 = vector.shape_cast %swap3A_291 : vector<1x1x1x16xf32> to vector<16xf32>
        %swap3A_293 = vector.shape_cast %mul3A_284 : vector<16xf32> to vector<1x1x1x16xf32>
        tpu.vector_store %arg7[%swap3A_287, %swap3A_288, %swap3A_289, %swap3A_290], %swap3A_293 {strides = array<i32>} : memref<2x2x50x128xf32, #tpu.memory_space<vmem>>, vector<1x1x1x16xf32>,
        %add3A_294 = arith.constant 0 : i32
        %add3A_295 = arith.addi %add3A_294, %scan3A_174 : i32
        %get3A_296 = arith.constant 1 : i32
        %get3A_297 = arith.index_cast %get3A_296 : i32 to index
        %get3A_298 = arith.index_cast %add3A_295 : i32 to index
        %get3A_299 = arith.constant 96 : index
        %get3A_300 = tpu.vector_load %arg6[%get3A_297, %get3A_298, %get3A_299] {strides = array<i32>} : memref<2x100x128xf32, #tpu.memory_space<vmem>>, vector<1x1x16xf32>,
        %get3A_301 = vector.shape_cast %get3A_300 : vector<1x1x16xf32> to vector<16xf32>
        %mul3A_302 = arith.constant 11.3137083 : f32
        %mul3A_303 = vector.broadcast %mul3A_302 : f32 to vector<16xf32>
        %mul3A_304 = arith.mulf %get3A_301, %mul3A_303 : vector<16xf32>
        %swap3A_305 = arith.constant 1 : i32
        %swap3A_306 = arith.constant 0 : i32
        %swap3A_307 = arith.index_cast %swap3A_305 : i32 to index
        %swap3A_308 = arith.index_cast %swap3A_306 : i32 to index
        %swap3A_309 = arith.index_cast %scan3A_174 : i32 to index
        %swap3A_310 = arith.constant 96 : index
        %swap3A_311 = tpu.vector_load %arg7[%swap3A_307, %swap3A_308, %swap3A_309, %swap3A_310] {strides = array<i32>} : memref<2x2x50x128xf32, #tpu.memory_space<vmem>>, vector<1x1x1x16xf32>,
        %swap3A_312 = vector.shape_cast %swap3A_311 : vector<1x1x1x16xf32> to vector<16xf32>
        %swap3A_313 = vector.shape_cast %mul3A_304 : vector<16xf32> to vector<1x1x1x16xf32>
        tpu.vector_store %arg7[%swap3A_307, %swap3A_308, %swap3A_309, %swap3A_310], %swap3A_313 {strides = array<i32>} : memref<2x2x50x128xf32, #tpu.memory_space<vmem>>, vector<1x1x1x16xf32>,
        %add3A_314 = arith.constant 0 : i32
        %add3A_315 = arith.addi %add3A_314, %scan3A_174 : i32
        %get3A_316 = arith.constant 1 : i32
        %get3A_317 = arith.index_cast %get3A_316 : i32 to index
        %get3A_318 = arith.index_cast %add3A_315 : i32 to index
        %get3A_319 = arith.constant 112 : index
        %get3A_320 = tpu.vector_load %arg6[%get3A_317, %get3A_318, %get3A_319] {strides = array<i32>} : memref<2x100x128xf32, #tpu.memory_space<vmem>>, vector<1x1x16xf32>,
        %get3A_321 = vector.shape_cast %get3A_320 : vector<1x1x16xf32> to vector<16xf32>
        %mul3A_322 = arith.constant 11.3137083 : f32
        %mul3A_323 = vector.broadcast %mul3A_322 : f32 to vector<16xf32>
        %mul3A_324 = arith.mulf %get3A_321, %mul3A_323 : vector<16xf32>
        %swap3A_325 = arith.constant 1 : i32
        %swap3A_326 = arith.constant 0 : i32
        %swap3A_327 = arith.index_cast %swap3A_325 : i32 to index
        %swap3A_328 = arith.index_cast %swap3A_326 : i32 to index
        %swap3A_329 = arith.index_cast %scan3A_174 : i32 to index
        %swap3A_330 = arith.constant 112 : index
        %swap3A_331 = tpu.vector_load %arg7[%swap3A_327, %swap3A_328, %swap3A_329, %swap3A_330] {strides = array<i32>} : memref<2x2x50x128xf32, #tpu.memory_space<vmem>>, vector<1x1x1x16xf32>,
        %swap3A_332 = vector.shape_cast %swap3A_331 : vector<1x1x1x16xf32> to vector<16xf32>
        %swap3A_333 = vector.shape_cast %mul3A_324 : vector<16xf32> to vector<1x1x1x16xf32>
        tpu.vector_store %arg7[%swap3A_327, %swap3A_328, %swap3A_329, %swap3A_330], %swap3A_333 {strides = array<i32>} : memref<2x2x50x128xf32, #tpu.memory_space<vmem>>, vector<1x1x1x16xf32>,
        %add3A_334 = arith.constant 50 : i32
        %add3A_335 = arith.addi %add3A_334, %scan3A_174 : i32
        %get3A_336 = arith.constant 1 : i32
        %get3A_337 = arith.index_cast %get3A_336 : i32 to index
        %get3A_338 = arith.index_cast %add3A_335 : i32 to index
        %get3A_339 = arith.constant 0 : index
        %get3A_340 = tpu.vector_load %arg6[%get3A_337, %get3A_338, %get3A_339] {strides = array<i32>} : memref<2x100x128xf32, #tpu.memory_space<vmem>>, vector<1x1x16xf32>,
        %get3A_341 = vector.shape_cast %get3A_340 : vector<1x1x16xf32> to vector<16xf32>
        %mul3A_342 = arith.constant 11.3137083 : f32
        %mul3A_343 = vector.broadcast %mul3A_342 : f32 to vector<16xf32>
        %mul3A_344 = arith.mulf %get3A_341, %mul3A_343 : vector<16xf32>
        %swap3A_345 = arith.constant 1 : i32
        %swap3A_346 = arith.constant 1 : i32
        %swap3A_347 = arith.index_cast %swap3A_345 : i32 to index
        %swap3A_348 = arith.index_cast %swap3A_346 : i32 to index
        %swap3A_349 = arith.index_cast %scan3A_174 : i32 to index
        %swap3A_350 = arith.constant 0 : index
        %swap3A_351 = tpu.vector_load %arg7[%swap3A_347, %swap3A_348, %swap3A_349, %swap3A_350] {strides = array<i32>} : memref<2x2x50x128xf32, #tpu.memory_space<vmem>>, vector<1x1x1x16xf32>,
        %swap3A_352 = vector.shape_cast %swap3A_351 : vector<1x1x1x16xf32> to vector<16xf32>
        %swap3A_353 = vector.shape_cast %mul3A_344 : vector<16xf32> to vector<1x1x1x16xf32>
        tpu.vector_store %arg7[%swap3A_347, %swap3A_348, %swap3A_349, %swap3A_350], %swap3A_353 {strides = array<i32>} : memref<2x2x50x128xf32, #tpu.memory_space<vmem>>, vector<1x1x1x16xf32>,
        %add3A_354 = arith.constant 50 : i32
        %add3A_355 = arith.addi %add3A_354, %scan3A_174 : i32
        %get3A_356 = arith.constant 1 : i32
        %get3A_357 = arith.index_cast %get3A_356 : i32 to index
        %get3A_358 = arith.index_cast %add3A_355 : i32 to index
        %get3A_359 = arith.constant 16 : index
        %get3A_360 = tpu.vector_load %arg6[%get3A_357, %get3A_358, %get3A_359] {strides = array<i32>} : memref<2x100x128xf32, #tpu.memory_space<vmem>>, vector<1x1x16xf32>,
        %get3A_361 = vector.shape_cast %get3A_360 : vector<1x1x16xf32> to vector<16xf32>
        %mul3A_362 = arith.constant 11.3137083 : f32
        %mul3A_363 = vector.broadcast %mul3A_362 : f32 to vector<16xf32>
        %mul3A_364 = arith.mulf %get3A_361, %mul3A_363 : vector<16xf32>
        %swap3A_365 = arith.constant 1 : i32
        %swap3A_366 = arith.constant 1 : i32
        %swap3A_367 = arith.index_cast %swap3A_365 : i32 to index
        %swap3A_368 = arith.index_cast %swap3A_366 : i32 to index
        %swap3A_369 = arith.index_cast %scan3A_174 : i32 to index
        %swap3A_370 = arith.constant 16 : index
        %swap3A_371 = tpu.vector_load %arg7[%swap3A_367, %swap3A_368, %swap3A_369, %swap3A_370] {strides = array<i32>} : memref<2x2x50x128xf32, #tpu.memory_space<vmem>>, vector<1x1x1x16xf32>,
        %swap3A_372 = vector.shape_cast %swap3A_371 : vector<1x1x1x16xf32> to vector<16xf32>
        %swap3A_373 = vector.shape_cast %mul3A_364 : vector<16xf32> to vector<1x1x1x16xf32>
        tpu.vector_store %arg7[%swap3A_367, %swap3A_368, %swap3A_369, %swap3A_370], %swap3A_373 {strides = array<i32>} : memref<2x2x50x128xf32, #tpu.memory_space<vmem>>, vector<1x1x1x16xf32>,
        %add3A_374 = arith.constant 50 : i32
        %add3A_375 = arith.addi %add3A_374, %scan3A_174 : i32
        %get3A_376 = arith.constant 1 : i32
        %get3A_377 = arith.index_cast %get3A_376 : i32 to index
        %get3A_378 = arith.index_cast %add3A_375 : i32 to index
        %get3A_379 = arith.constant 32 : index
        %get3A_380 = tpu.vector_load %arg6[%get3A_377, %get3A_378, %get3A_379] {strides = array<i32>} : memref<2x100x128xf32, #tpu.memory_space<vmem>>, vector<1x1x16xf32>,
        %get3A_381 = vector.shape_cast %get3A_380 : vector<1x1x16xf32> to vector<16xf32>
        %mul3A_382 = arith.constant 11.3137083 : f32
        %mul3A_383 = vector.broadcast %mul3A_382 : f32 to vector<16xf32>
        %mul3A_384 = arith.mulf %get3A_381, %mul3A_383 : vector<16xf32>
        %swap3A_385 = arith.constant 1 : i32
        %swap3A_386 = arith.constant 1 : i32
        %swap3A_387 = arith.index_cast %swap3A_385 : i32 to index
        %swap3A_388 = arith.index_cast %swap3A_386 : i32 to index
        %swap3A_389 = arith.index_cast %scan3A_174 : i32 to index
        %swap3A_390 = arith.constant 32 : index
        %swap3A_391 = tpu.vector_load %arg7[%swap3A_387, %swap3A_388, %swap3A_389, %swap3A_390] {strides = array<i32>} : memref<2x2x50x128xf32, #tpu.memory_space<vmem>>, vector<1x1x1x16xf32>,
        %swap3A_392 = vector.shape_cast %swap3A_391 : vector<1x1x1x16xf32> to vector<16xf32>
        %swap3A_393 = vector.shape_cast %mul3A_384 : vector<16xf32> to vector<1x1x1x16xf32>
        tpu.vector_store %arg7[%swap3A_387, %swap3A_388, %swap3A_389, %swap3A_390], %swap3A_393 {strides = array<i32>} : memref<2x2x50x128xf32, #tpu.memory_space<vmem>>, vector<1x1x1x16xf32>,
        %add3A_394 = arith.constant 50 : i32
        %add3A_395 = arith.addi %add3A_394, %scan3A_174 : i32
        %get3A_396 = arith.constant 1 : i32
        %get3A_397 = arith.index_cast %get3A_396 : i32 to index
        %get3A_398 = arith.index_cast %add3A_395 : i32 to index
        %get3A_399 = arith.constant 48 : index
        %get3A_400 = tpu.vector_load %arg6[%get3A_397, %get3A_398, %get3A_399] {strides = array<i32>} : memref<2x100x128xf32, #tpu.memory_space<vmem>>, vector<1x1x16xf32>,
        %get3A_401 = vector.shape_cast %get3A_400 : vector<1x1x16xf32> to vector<16xf32>
        %mul3A_402 = arith.constant 11.3137083 : f32
        %mul3A_403 = vector.broadcast %mul3A_402 : f32 to vector<16xf32>
        %mul3A_404 = arith.mulf %get3A_401, %mul3A_403 : vector<16xf32>
        %swap3A_405 = arith.constant 1 : i32
        %swap3A_406 = arith.constant 1 : i32
        %swap3A_407 = arith.index_cast %swap3A_405 : i32 to index
        %swap3A_408 = arith.index_cast %swap3A_406 : i32 to index
        %swap3A_409 = arith.index_cast %scan3A_174 : i32 to index
        %swap3A_410 = arith.constant 48 : index
        %swap3A_411 = tpu.vector_load %arg7[%swap3A_407, %swap3A_408, %swap3A_409, %swap3A_410] {strides = array<i32>} : memref<2x2x50x128xf32, #tpu.memory_space<vmem>>, vector<1x1x1x16xf32>,
        %swap3A_412 = vector.shape_cast %swap3A_411 : vector<1x1x1x16xf32> to vector<16xf32>
        %swap3A_413 = vector.shape_cast %mul3A_404 : vector<16xf32> to vector<1x1x1x16xf32>
        tpu.vector_store %arg7[%swap3A_407, %swap3A_408, %swap3A_409, %swap3A_410], %swap3A_413 {strides = array<i32>} : memref<2x2x50x128xf32, #tpu.memory_space<vmem>>, vector<1x1x1x16xf32>,
        %add3A_414 = arith.constant 50 : i32
        %add3A_415 = arith.addi %add3A_414, %scan3A_174 : i32
        %get3A_416 = arith.constant 1 : i32
        %get3A_417 = arith.index_cast %get3A_416 : i32 to index
        %get3A_418 = arith.index_cast %add3A_415 : i32 to index
        %get3A_419 = arith.constant 64 : index
        %get3A_420 = tpu.vector_load %arg6[%get3A_417, %get3A_418, %get3A_419] {strides = array<i32>} : memref<2x100x128xf32, #tpu.memory_space<vmem>>, vector<1x1x16xf32>,
        %get3A_421 = vector.shape_cast %get3A_420 : vector<1x1x16xf32> to vector<16xf32>
        %mul3A_422 = arith.constant 11.3137083 : f32
        %mul3A_423 = vector.broadcast %mul3A_422 : f32 to vector<16xf32>
        %mul3A_424 = arith.mulf %get3A_421, %mul3A_423 : vector<16xf32>
        %swap3A_425 = arith.constant 1 : i32
        %swap3A_426 = arith.constant 1 : i32
        %swap3A_427 = arith.index_cast %swap3A_425 : i32 to index
        %swap3A_428 = arith.index_cast %swap3A_426 : i32 to index
        %swap3A_429 = arith.index_cast %scan3A_174 : i32 to index
        %swap3A_430 = arith.constant 64 : index
        %swap3A_431 = tpu.vector_load %arg7[%swap3A_427, %swap3A_428, %swap3A_429, %swap3A_430] {strides = array<i32>} : memref<2x2x50x128xf32, #tpu.memory_space<vmem>>, vector<1x1x1x16xf32>,
        %swap3A_432 = vector.shape_cast %swap3A_431 : vector<1x1x1x16xf32> to vector<16xf32>
        %swap3A_433 = vector.shape_cast %mul3A_424 : vector<16xf32> to vector<1x1x1x16xf32>
        tpu.vector_store %arg7[%swap3A_427, %swap3A_428, %swap3A_429, %swap3A_430], %swap3A_433 {strides = array<i32>} : memref<2x2x50x128xf32, #tpu.memory_space<vmem>>, vector<1x1x1x16xf32>,
        %add3A_434 = arith.constant 50 : i32
        %add3A_435 = arith.addi %add3A_434, %scan3A_174 : i32
        %get3A_436 = arith.constant 1 : i32
        %get3A_437 = arith.index_cast %get3A_436 : i32 to index
        %get3A_438 = arith.index_cast %add3A_435 : i32 to index
        %get3A_439 = arith.constant 80 : index
        %get3A_440 = tpu.vector_load %arg6[%get3A_437, %get3A_438, %get3A_439] {strides = array<i32>} : memref<2x100x128xf32, #tpu.memory_space<vmem>>, vector<1x1x16xf32>,
        %get3A_441 = vector.shape_cast %get3A_440 : vector<1x1x16xf32> to vector<16xf32>
        %mul3A_442 = arith.constant 11.3137083 : f32
        %mul3A_443 = vector.broadcast %mul3A_442 : f32 to vector<16xf32>
        %mul3A_444 = arith.mulf %get3A_441, %mul3A_443 : vector<16xf32>
        %swap3A_445 = arith.constant 1 : i32
        %swap3A_446 = arith.constant 1 : i32
        %swap3A_447 = arith.index_cast %swap3A_445 : i32 to index
        %swap3A_448 = arith.index_cast %swap3A_446 : i32 to index
        %swap3A_449 = arith.index_cast %scan3A_174 : i32 to index
        %swap3A_450 = arith.constant 80 : index
        %swap3A_451 = tpu.vector_load %arg7[%swap3A_447, %swap3A_448, %swap3A_449, %swap3A_450] {strides = array<i32>} : memref<2x2x50x128xf32, #tpu.memory_space<vmem>>, vector<1x1x1x16xf32>,
        %swap3A_452 = vector.shape_cast %swap3A_451 : vector<1x1x1x16xf32> to vector<16xf32>
        %swap3A_453 = vector.shape_cast %mul3A_444 : vector<16xf32> to vector<1x1x1x16xf32>
        tpu.vector_store %arg7[%swap3A_447, %swap3A_448, %swap3A_449, %swap3A_450], %swap3A_453 {strides = array<i32>} : memref<2x2x50x128xf32, #tpu.memory_space<vmem>>, vector<1x1x1x16xf32>,
        %add3A_454 = arith.constant 50 : i32
        %add3A_455 = arith.addi %add3A_454, %scan3A_174 : i32
        %get3A_456 = arith.constant 1 : i32
        %get3A_457 = arith.index_cast %get3A_456 : i32 to index
        %get3A_458 = arith.index_cast %add3A_455 : i32 to index
        %get3A_459 = arith.constant 96 : index
        %get3A_460 = tpu.vector_load %arg6[%get3A_457, %get3A_458, %get3A_459] {strides = array<i32>} : memref<2x100x128xf32, #tpu.memory_space<vmem>>, vector<1x1x16xf32>,
        %get3A_461 = vector.shape_cast %get3A_460 : vector<1x1x16xf32> to vector<16xf32>
        %mul3A_462 = arith.constant 11.3137083 : f32
        %mul3A_463 = vector.broadcast %mul3A_462 : f32 to vector<16xf32>
        %mul3A_464 = arith.mulf %get3A_461, %mul3A_463 : vector<16xf32>
        %swap3A_465 = arith.constant 1 : i32
        %swap3A_466 = arith.constant 1 : i32
        %swap3A_467 = arith.index_cast %swap3A_465 : i32 to index
        %swap3A_468 = arith.index_cast %swap3A_466 : i32 to index
        %swap3A_469 = arith.index_cast %scan3A_174 : i32 to index
        %swap3A_470 = arith.constant 96 : index
        %swap3A_471 = tpu.vector_load %arg7[%swap3A_467, %swap3A_468, %swap3A_469, %swap3A_470] {strides = array<i32>} : memref<2x2x50x128xf32, #tpu.memory_space<vmem>>, vector<1x1x1x16xf32>,
        %swap3A_472 = vector.shape_cast %swap3A_471 : vector<1x1x1x16xf32> to vector<16xf32>
        %swap3A_473 = vector.shape_cast %mul3A_464 : vector<16xf32> to vector<1x1x1x16xf32>
        tpu.vector_store %arg7[%swap3A_467, %swap3A_468, %swap3A_469, %swap3A_470], %swap3A_473 {strides = array<i32>} : memref<2x2x50x128xf32, #tpu.memory_space<vmem>>, vector<1x1x1x16xf32>,
        %add3A_474 = arith.constant 50 : i32
        %add3A_475 = arith.addi %add3A_474, %scan3A_174 : i32
        %get3A_476 = arith.constant 1 : i32
        %get3A_477 = arith.index_cast %get3A_476 : i32 to index
        %get3A_478 = arith.index_cast %add3A_475 : i32 to index
        %get3A_479 = arith.constant 112 : index
        %get3A_480 = tpu.vector_load %arg6[%get3A_477, %get3A_478, %get3A_479] {strides = array<i32>} : memref<2x100x128xf32, #tpu.memory_space<vmem>>, vector<1x1x16xf32>,
        %get3A_481 = vector.shape_cast %get3A_480 : vector<1x1x16xf32> to vector<16xf32>
        %mul3A_482 = arith.constant 11.3137083 : f32
        %mul3A_483 = vector.broadcast %mul3A_482 : f32 to vector<16xf32>
        %mul3A_484 = arith.mulf %get3A_481, %mul3A_483 : vector<16xf32>
        %swap3A_485 = arith.constant 1 : i32
        %swap3A_486 = arith.constant 1 : i32
        %swap3A_487 = arith.index_cast %swap3A_485 : i32 to index
        %swap3A_488 = arith.index_cast %swap3A_486 : i32 to index
        %swap3A_489 = arith.index_cast %scan3A_174 : i32 to index
        %swap3A_490 = arith.constant 112 : index
        %swap3A_491 = tpu.vector_load %arg7[%swap3A_487, %swap3A_488, %swap3A_489, %swap3A_490] {strides = array<i32>} : memref<2x2x50x128xf32, #tpu.memory_space<vmem>>, vector<1x1x1x16xf32>,
        %swap3A_492 = vector.shape_cast %swap3A_491 : vector<1x1x1x16xf32> to vector<16xf32>
        %swap3A_493 = vector.shape_cast %mul3A_484 : vector<16xf32> to vector<1x1x1x16xf32>
        tpu.vector_store %arg7[%swap3A_487, %swap3A_488, %swap3A_489, %swap3A_490], %swap3A_493 {strides = array<i32>} : memref<2x2x50x128xf32, #tpu.memory_space<vmem>>, vector<1x1x1x16xf32>,
        %scan3A_494 = arith.constant 0 : i32
        scf.yield %scan3A_494 : i32
      }
      %scan3A_145 = arith.constant 50 : i32
      %add3A_146 = arith.constant 2 : i32
      %add3A_147 = arith.addi %add3A_122, %add3A_146 : i32
      %lt3A_148 = arith.constant 64 : i32
      %lt3A_149 = arith.cmpi slt, %add3A_147, %lt3A_148 : i32
      %convert_element_type3A_150 = arith.extui %lt3A_149 : i1 to i32
      %cond3A_151 = arith.constant 0 : i32
      %cond3A_152 = arith.cmpi ne, %convert_element_type3A_150, %cond3A_151 : i32
      scf.if %cond3A_152 {
        %add3A_174 = arith.constant 2 : i32
        %add3A_175 = arith.addi %add3A_122, %add3A_174 : i32
        %dma_start3A_176 = arith.constant 1 : i32
        %dma_start3A_177 = arith.constant 0 : i32
        %dma_start3A_178 = arith.constant 0 : i32
        %dma_start3A_179 = tpu.memref_slice %arg6[%dma_start3A_176, %dma_start3A_177, %dma_start3A_178] : memref<2x100x128xf32, #tpu.memory_space<vmem>> -> memref<1x100x128xf32, #tpu.memory_space<vmem>>
        %dma_start3A_180 = tpu.memref_squeeze %dma_start3A_179 : memref<1x100x128xf32, #tpu.memory_space<vmem>> -> memref<100x128xf32, #tpu.memory_space<vmem>>
        %dma_start3A_181 = arith.constant 0 : i32
        %dma_start3A_182 = tpu.memref_slice %arg5[%add3A_175, %dma_start3A_181] : memref<64x100xi32, #tpu.memory_space<vmem>> -> memref<1x100xi32, #tpu.memory_space<vmem>>
        %dma_start3A_183 = tpu.memref_squeeze %dma_start3A_182 : memref<1x100xi32, #tpu.memory_space<vmem>> -> memref<100xi32, #tpu.memory_space<vmem>>
        %dma_start3A_184 = arith.constant 0 : i32
        %dma_start3A_185 = arith.constant 0 : i32
        %dma_start3A_186 = tpu.memref_slice %arg3[%dma_start3A_184, %dma_start3A_185] : memref<100000x128xf32, #tpu.memory_space<hbm>> -> memref<100000x128xf32, #tpu.memory_space<hbm>>
        tpu.enqueue_indirect_dma source(%dma_start3A_186 : memref<100000x128xf32, #tpu.memory_space<hbm>>) target(%dma_start3A_180 : memref<100x128xf32, #tpu.memory_space<vmem>>) offsets(%dma_start3A_183 : memref<100xi32, #tpu.memory_space<vmem>>) semaphore(%arg8 : memref<!tpu.dma_semaphore, #tpu.memory_space<semaphore_mem>>)
      } else {
      }
      %mul3A_153 = arith.constant 2 : i32
      %mul3A_154 = arith.muli %add3A_122, %mul3A_153 : i32
      %add3A_155 = arith.addi %mul3A_2, %mul3A_154 : i32
      %dma_start3A_156 = arith.constant 1 : i32
      %dma_start3A_157 = arith.constant 0 : i32
      %dma_start3A_158 = arith.constant 0 : i32
      %dma_start3A_159 = arith.constant 0 : i32
      %dma_start3A_160 = tpu.memref_slice %arg7[%dma_start3A_156, %dma_start3A_157, %dma_start3A_158, %dma_start3A_159] : memref<2x2x50x128xf32, #tpu.memory_space<vmem>> -> memref<1x2x50x128xf32, #tpu.memory_space<vmem>>
      %dma_start3A_161 = tpu.memref_squeeze %dma_start3A_160 : memref<1x2x50x128xf32, #tpu.memory_space<vmem>> -> memref<2x50x128xf32, #tpu.memory_space<vmem>>
      %dma_start3A_162 = arith.constant 0 : i32
      %dma_start3A_163 = arith.constant 0 : i32
      %dma_start3A_164 = tpu.memref_slice %arg4[%add3A_155, %dma_start3A_162, %dma_start3A_163] : memref<4096x50x128xf32, #tpu.memory_space<hbm>> -> memref<2x50x128xf32, #tpu.memory_space<hbm>>
      %dma_start3A_165 = arith.constant 0 : i32
      %dma_start3A_166 = arith.constant 0 : i32
      %dma_start3A_167 = tpu.memref_slice %arg4[%add3A_155, %dma_start3A_165, %dma_start3A_166] : memref<4096x50x128xf32, #tpu.memory_space<hbm>> -> memref<2x50x128xf32, #tpu.memory_space<hbm>>
      %dma_start3A_168 = arith.constant 0 : i32
      %dma_start3A_169 = arith.constant 0 : i32
      %dma_start3A_170 = arith.constant 0 : i32
      %dma_start3A_171 = tpu.memref_slice %arg7[%dma_start3A_156, %dma_start3A_168, %dma_start3A_169, %dma_start3A_170] : memref<2x2x50x128xf32, #tpu.memory_space<vmem>> -> memref<1x2x50x128xf32, #tpu.memory_space<vmem>>
      %dma_start3A_172 = tpu.memref_squeeze %dma_start3A_171 : memref<1x2x50x128xf32, #tpu.memory_space<vmem>> -> memref<2x50x128xf32, #tpu.memory_space<vmem>>
      tpu.enqueue_dma source(%dma_start3A_172 : memref<2x50x128xf32, #tpu.memory_space<vmem>>) target(%dma_start3A_167 : memref<2x50x128xf32, #tpu.memory_space<hbm>>) target_semaphore(%arg9 : memref<!tpu.dma_semaphore, #tpu.memory_space<semaphore_mem>>)
      %scan3A_173 = arith.constant 0 : i32
      scf.yield %scan3A_173 : i32
    }
    %scan3A_31 = arith.constant 32 : i32
    %add3A_32 = arith.constant 124 : i32
    %add3A_33 = arith.addi %mul3A_2, %add3A_32 : i32
    %dma_wait3A = arith.constant 0 : i32
    %dma_wait3A_34 = arith.constant 0 : i32
    %dma_wait3A_35 = arith.constant 0 : i32
    %dma_wait3A_36 = arith.constant 0 : i32
    %dma_wait3A_37 = tpu.memref_slice %arg7[%dma_wait3A, %dma_wait3A_34, %dma_wait3A_35, %dma_wait3A_36] : memref<2x2x50x128xf32, #tpu.memory_space<vmem>> -> memref<1x2x50x128xf32, #tpu.memory_space<vmem>>
    %dma_wait3A_38 = tpu.memref_squeeze %dma_wait3A_37 : memref<1x2x50x128xf32, #tpu.memory_space<vmem>> -> memref<2x50x128xf32, #tpu.memory_space<vmem>>
    %dma_wait3A_39 = arith.constant 0 : i32
    %dma_wait3A_40 = arith.constant 0 : i32
    %dma_wait3A_41 = tpu.memref_slice %arg4[%add3A_33, %dma_wait3A_39, %dma_wait3A_40] : memref<4096x50x128xf32, #tpu.memory_space<hbm>> -> memref<2x50x128xf32, #tpu.memory_space<hbm>>
    %dma_wait3A_42 = arith.constant 0 : i32
    %dma_wait3A_43 = arith.constant 0 : i32
    %dma_wait3A_44 = tpu.memref_slice %arg4[%add3A_33, %dma_wait3A_42, %dma_wait3A_43] : memref<4096x50x128xf32, #tpu.memory_space<hbm>> -> memref<2x50x128xf32, #tpu.memory_space<hbm>>
    %dma_wait3A_45 = arith.constant 0 : i32
    %dma_wait3A_46 = arith.constant 0 : i32
    %dma_wait3A_47 = arith.constant 0 : i32
    %dma_wait3A_48 = tpu.memref_slice %arg7[%dma_wait3A, %dma_wait3A_45, %dma_wait3A_46, %dma_wait3A_47] : memref<2x2x50x128xf32, #tpu.memory_space<vmem>> -> memref<1x2x50x128xf32, #tpu.memory_space<vmem>>
    %dma_wait3A_49 = tpu.memref_squeeze %dma_wait3A_48 : memref<1x2x50x128xf32, #tpu.memory_space<vmem>> -> memref<2x50x128xf32, #tpu.memory_space<vmem>>
    tpu.wait_dma2 semaphore(%arg9 : memref<!tpu.dma_semaphore, #tpu.memory_space<semaphore_mem>>) src(%dma_wait3A_49 : memref<2x50x128xf32, #tpu.memory_space<vmem>>) dst(%dma_wait3A_44 : memref<2x50x128xf32, #tpu.memory_space<hbm>>)
    %add3A_50 = arith.constant 126 : i32
    %add3A_51 = arith.addi %mul3A_2, %add3A_50 : i32
    %dma_wait3A_52 = arith.constant 1 : i32
    %dma_wait3A_53 = arith.constant 0 : i32
    %dma_wait3A_54 = arith.constant 0 : i32
    %dma_wait3A_55 = arith.constant 0 : i32
    %dma_wait3A_56 = tpu.memref_slice %arg7[%dma_wait3A_52, %dma_wait3A_53, %dma_wait3A_54, %dma_wait3A_55] : memref<2x2x50x128xf32, #tpu.memory_space<vmem>> -> memref<1x2x50x128xf32, #tpu.memory_space<vmem>>
    %dma_wait3A_57 = tpu.memref_squeeze %dma_wait3A_56 : memref<1x2x50x128xf32, #tpu.memory_space<vmem>> -> memref<2x50x128xf32, #tpu.memory_space<vmem>>
    %dma_wait3A_58 = arith.constant 0 : i32
    %dma_wait3A_59 = arith.constant 0 : i32
    %dma_wait3A_60 = tpu.memref_slice %arg4[%add3A_51, %dma_wait3A_58, %dma_wait3A_59] : memref<4096x50x128xf32, #tpu.memory_space<hbm>> -> memref<2x50x128xf32, #tpu.memory_space<hbm>>
    %dma_wait3A_61 = arith.constant 0 : i32
    %dma_wait3A_62 = arith.constant 0 : i32
    %dma_wait3A_63 = tpu.memref_slice %arg4[%add3A_51, %dma_wait3A_61, %dma_wait3A_62] : memref<4096x50x128xf32, #tpu.memory_space<hbm>> -> memref<2x50x128xf32, #tpu.memory_space<hbm>>
    %dma_wait3A_64 = arith.constant 0 : i32
    %dma_wait3A_65 = arith.constant 0 : i32
    %dma_wait3A_66 = arith.constant 0 : i32
    %dma_wait3A_67 = tpu.memref_slice %arg7[%dma_wait3A_52, %dma_wait3A_64, %dma_wait3A_65, %dma_wait3A_66] : memref<2x2x50x128xf32, #tpu.memory_space<vmem>> -> memref<1x2x50x128xf32, #tpu.memory_space<vmem>>
    %dma_wait3A_68 = tpu.memref_squeeze %dma_wait3A_67 : memref<1x2x50x128xf32, #tpu.memory_space<vmem>> -> memref<2x50x128xf32, #tpu.memory_space<vmem>>
    tpu.wait_dma2 semaphore(%arg9 : memref<!tpu.dma_semaphore, #tpu.memory_space<semaphore_mem>>) src(%dma_wait3A_68 : memref<2x50x128xf32, #tpu.memory_space<vmem>>) dst(%dma_wait3A_63 : memref<2x50x128xf32, #tpu.memory_space<hbm>>)
    return
  }
}

</mosaic_0001>

<sc_bundles>
// kernel: kernel.3.cloned.1.call-start
scs
__scs_entry_jumppad:
0x0: {  	(pc) =	sbr.rel $0x88, $3  }
0x1: {  	(tag) =	ssettag $0x0;
	lr =	simm.s32 $0x1  }
0x2: {  	[smem:$0x3F9F] =	sst lr;
	_ =	strace $0xD0000000  }
0x3: {  	_ = 	snop  }
0x4: {  	_ = 	snop  }
0x5: {  	_ = 	snop  }
0x6: {  	_ = 	snop  }
0x7: {  	_ = 	snop  }
__scs_overlays_trampoline_lowered:
0x8: {  	[smem:$0x3FAE] =	sst s0  }
0x9: {  	[smem:$0x3FAF] =	sst s1  }
0xa: {  	[smem:$0x3FB0] =	sst s2  }
0xb: {  	[smem:$0x3FB1] =	sst s3  }
0xc: {  	[smem:$0x3FB2] =	sst s4  }
0xd: {  	[smem:$0x3FB3] =	sst s5  }
0xe: {  	[smem:$0x3FB4] =	sst s6  }
0xf: {  	[smem:$0x3FB5] =	sst s7  }
0x10: {  	[smem:$0x3FB6] =	sst s8  }
0x11: {  	[smem:$0x3FB7] =	sst s9;
	s0 =	simm.s32 @!p0 $0x0  }
0x12: {  	s1 =	sld [smem:$0x3F9D];
	s0 =	simm.s32 @p0 $0x1  }
0x13: {  	[smem:$0x3FB8] =	sst s0;
	s0 =	simm.s32 @!p1 $0x0  }
0x14: {  	s2 =	sld [smem:$0x3F9C];
	s0 =	simm.s32 @p1 $0x1  }
0x15: {  	[smem:$0x3FB9] =	sst s0;
	s0 =	simm.s32 @!p2 $0x0  }
0x16: {  	s3 =	sld [smem:$0x3FDB];
	s0 =	simm.s32 @p2 $0x1  }
0x17: {  	s4 =	simm.s32 $0x1BF5;
	[smem:$0x3FBB] =	sst s0  }
0x18: {  	s0 =	sld [smem:$0x3F9E];
	_ =	swait.ge [sflag:s4], $0x0  }
0x19: {  	s7 =	sld [smem:$0x3F9F]  }
0x1a: {  	s8 =	sadd.s32 $0xFFFFE003, lr  }
0x1b: {  	s9 =	sadd.s32 $0xFFFFFEF7, lr;
	s5 =	simm.s32 $0xFFFFFFFF;
	p2 =	slt.u32 s8, $0xFFFFF086  }
0x1c: {  	p1 =	slt.u32 s9, $0xF7A;
	s5 =	simm.s32 @!p2 $0x0  }
0x1d: {  	s5 =	simm.s32 @p1 $0x1;
	p0 =	seq.s32 s7, s2  }
0x1e: {  	s7 =	smul.u32 @!p0 $0xF7A, s2;
	p2 =	seq.s32 @!p0 s5, $0x0  }
0x1f: {  	s9 =	smul.u32 $0xF7A, s1;
	s8 =	simm.s32 @!p0 $0x1BF5;
	p2 =	por !p2, p0  }
0x20: {  	[sflag:s8] =	ssyncset.s32 @!p0 $0xFFFFF086;
	s6 =	sadd.s32 @!p0 s3, s7;
	s7 =	simm.s32 @!p0 $0x108  }
0x21: {  	s3 =	sadd.s32 s3, s9;
	s6 =	sadd.s32 @!p0 $0x88, s6;
	s7 =	simm.s32 @p2 $0x1082  }
0x22: {  	[simem:s7], [sflag:s8] =	dma.local @!p0 [hbm:s6], $0xF7A  }
0x23: {  	s9 =	sor.u32 $0xD0000000, s2;
	s6 =	simm.s32 $0x108;
	_ =	swait.ge @!p0 [sflag:s8], $0x0  }
0x24: {  	s3 =	sadd.s32 $0x88, s3;
	s6 =	simm.s32 @!p1 $0x1082;
	[sflag:s4] =	ssyncset.s32 $0xFFFFF086  }
0x25: {  	[simem:s6], [sflag:s4] =	dma.local [hbm:s3], $0xF7A  }
0x26: {  	[smem:$0x3F9F] =	sst s1;
	(tag) =	ssettag s2;
	_ =	strace s9  }
0x27: {  	s1 =	sld [smem:$0x3FAF]  }
0x28: {  	s2 =	sld [smem:$0x3FB0]  }
0x29: {  	s4 =	sld [smem:$0x3FB2]  }
0x2a: {  	p0 =	seq.s32 s5, $0x0;
	s5 =	sld [smem:$0x3FB3]  }
0x2b: {  	s6 =	sld [smem:$0x3FB4]  }
0x2c: {  	s7 =	sld [smem:$0x3FB5]  }
0x2d: {  	s3 =	simm.s32 $0x108;
	s8 =	sld [smem:$0x3FB6]  }
0x2e: {  	s3 =	simm.s32 @!p0 $0x1082;
	s9 =	sld [smem:$0x3FB7]  }
0x2f: {  	lr =	sadd.s32 s0, s3;
	s0 =	sld [smem:$0x3FAE]  }
0x30: {  	s3 =	sld [smem:$0x3FB1]  }
0x31: {  	[smem:$0x3FBA] =	sst s10  }
0x32: {  	s10 =	sld [smem:$0x3FB8];
	_ =	sdelay $0x3  }
0x33: {  	p0 =	seq.s32 s10, $0x1;
	s10 =	sld [smem:$0x3FBA];
	_ =	sdelay $0x3  }
0x34: {  	[smem:$0x3FBA] =	sst s10  }
0x35: {  	s10 =	sld [smem:$0x3FB9];
	_ =	sdelay $0x3  }
0x36: {  	p1 =	seq.s32 s10, $0x1;
	s10 =	sld [smem:$0x3FBA];
	_ =	sdelay $0x3  }
0x37: {  	[smem:$0x3FBA] =	sst s10  }
0x38: {  	s10 =	sld [smem:$0x3FBB]  }
0x39: {  	_ = 	snop;
	(pc) =	sbr.ind lr, $3  }
0x3a: {  	_ = 	snop  }
0x3b: {  	_ = 	snop  }
0x3c: {  	p2 =	seq.s32 s10, $0x1;
	s10 =	sld [smem:$0x3FBA]  }
0x3d: {  	_ =	shalt  }
0x3e: {  	_ =	shalt  }
0x3f: {  	_ =	shalt  }
0x40: {  	_ =	shalt  }
0x41: {  	_ =	shalt  }
0x42: {  	_ =	shalt  }
0x43: {  	_ =	shalt  }
0x44: {  	_ =	shalt  }
0x45: {  	_ =	shalt  }
0x46: {  	_ =	shalt  }
0x47: {  	_ =	shalt  }
0x48: {  	_ =	shalt  }
0x49: {  	_ =	shalt  }
0x4a: {  	_ =	shalt  }
0x4b: {  	_ =	shalt  }
0x4c: {  	_ =	shalt  }
0x4d: {  	_ =	shalt  }
0x4e: {  	_ =	shalt  }
0x4f: {  	_ =	shalt  }
0x50: {  	_ =	shalt  }
0x51: {  	_ =	shalt  }
0x52: {  	_ =	shalt  }
0x53: {  	_ =	shalt  }
0x54: {  	_ =	shalt  }
0x55: {  	_ =	shalt  }
0x56: {  	_ =	shalt  }
0x57: {  	_ =	shalt  }
0x58: {  	_ =	shalt  }
0x59: {  	_ =	shalt  }
0x5a: {  	_ =	shalt  }
0x5b: {  	_ =	shalt  }
0x5c: {  	_ =	shalt  }
0x5d: {  	_ =	shalt  }
0x5e: {  	_ =	shalt  }
0x5f: {  	_ =	shalt  }
0x60: {  	_ =	shalt  }
0x61: {  	_ =	shalt  }
0x62: {  	_ =	shalt  }
0x63: {  	_ =	shalt  }
0x64: {  	_ =	shalt  }
0x65: {  	_ =	shalt  }
0x66: {  	_ =	shalt  }
0x67: {  	_ =	shalt  }
0x68: {  	_ =	shalt  }
0x69: {  	_ =	shalt  }
0x6a: {  	_ =	shalt  }
0x6b: {  	_ =	shalt  }
0x6c: {  	_ =	shalt  }
0x6d: {  	_ =	shalt  }
0x6e: {  	_ =	shalt  }
0x6f: {  	_ =	shalt  }
0x70: {  	_ =	shalt  }
0x71: {  	_ =	shalt  }
0x72: {  	_ =	shalt  }
0x73: {  	_ =	shalt  }
0x74: {  	_ =	shalt  }
0x75: {  	_ =	shalt  }
0x76: {  	_ =	shalt  }
0x77: {  	_ =	shalt  }
0x78: {  	_ =	shalt  }
0x79: {  	_ =	shalt  }
0x7a: {  	_ =	shalt  }
0x7b: {  	_ =	shalt  }
0x7c: {  	_ =	shalt  }
0x7d: {  	_ =	shalt  }
0x7e: {  	_ =	shalt  }
0x7f: {  	_ =	shalt  }
0x80: {  	_ =	shalt  }
0x81: {  	_ =	shalt  }
0x82: {  	_ =	shalt  }
0x83: {  	_ =	shalt  }
0x84: {  	_ =	shalt  }
0x85: {  	_ =	shalt  }
0x86: {  	_ =	shalt  }
0x87: {  	_ =	shalt  }
.Lfunc_end0:
.L_simem_size_0:
called_computation_lowered:
.L_overlay_start_0:
0x88: {  	s2 =	sld [smem:$0x3FD9]  }
0x89: {  	s3 =	sld [smem:$0x3FFE];
	_ =	sdelay $0x1  }
0x8a: {  	s1 =	srdreg.scid  }
0x8b: {  	s0 =	sand.u32 $0x1, s1  }
0x8c: {  	s17 =	sshll.u32 s0, $0xA;
	s2 =	sadd.s32 s3, s2  }
0x8d: {  	s2 =	sadd.s32 s2, s17  }
0x8e: {  	[smem:$0x3FC6] =	sst s2  }
0x8f: {  	_ = 	snop  }
0x90: {  	s2 =	sld [smem:$0x3FC8]  }
0x91: {  	s18 =	sld [smem:$0x3FD0];
	(tm) =	ssettm $0x1  }
0x92: {  	s4 =	sld [smem:$0x3FFB];
	_ =	sdelay $0x3  }
0x93: {  	_ =	strace s4  }
0x94: {  	s4 =	sld [smem:$0x3FFC];
	_ =	sdelay $0x3  }
0x95: {  	_ =	strace s4  }
0x96: {  	s4 =	sld [smem:$0x3FFD];
	_ =	sdelay $0x3  }
0x97: {  	_ =	strace s4  }
0x98: {  	_ =	strace $0x8FFFFFFF  }
0x99: {  	s19 =	sld [smem:$0x3FDB];
	_ =	sdelay $0x1  }
0x9a: {  	s5 =	simm.s32 $_scs_section_size  }
0x9b: {  	s6 =	simm.s32 $_size__tile_overlayer_lowered;
	s7 =	simm.s32 $_tile_overlayer_lowered  }
0x9c: {  	s22 =	simm.s32 $0x1BFF;
	s21 =	sshll.u32 s7, $0x1;
	s4 =	sadd.s32 s5, s19  }
0x9d: {  	s8 =	simm.s32 $0x0;
	s20 =	sshll.u32 s6, $0x1;
	s6 =	sadd.s32 s21, s4  }
0x9e: {  	[timem:s8], [sflag:s22] =	dma.local [hbm:s6], s20  }
0x9f: {  	_ =	swait.ge [sflag:s22], s20  }
0xa0: {  	s5 =	ssub.s32 $0x0, s20;
	[sflag:s22] =	ssyncset.done $0x0  }
0xa1: {  	[sflag:s22] =	ssyncadd.s32 s5;
	_ =	sdelay $0x1  }
0xa2: {  	s23 =	simm.s32 $0x1B8B  }
0xa3: {  	_ =	swait.ge [sflag:s23], $0x1  }
0xa4: {  	[sflag:s23] =	ssyncset.done $0x0  }
0xa5: {  	s25 =	simm.s32 $0x1B8E;
	s24 =	sld [smem:$0x3FFE];
	[sflag:s23] =	ssyncadd.s32 $0xFFFFFFFF  }
0xa6: {  	s26 =	simm.s32 $execute0_lowered;
	[smem:$0x3FD2] =	sst s25  }
0xa7: {  	s6 =	sshll.u32 s26, $0x1;
	_ =	strace $0x80000046;
	[dreg:$0x1] =	wrdreg $0xFFFFFFFF  }
0xa8: {  	s28 =	simm.s32 $_size_execute0_lowered;
	s4 =	sadd.s32 s4, s6;
	[dreg:$0x0] =	wrdreg $0x0  }
0xa9: {  	s6 =	sshll.u32 s28, $0x1;
	[dreg:$0x2] =	wrdreg s4  }
0xaa: {  	[dreg:$0x3] =	wrdreg s6  }
0xab: {  	[dreg:$0x4] =	wrdreg $0xC0  }
0xac: {  	_ =	task [dreg:s8], $0x5FFFF  }
0xad: {  	[dreg:$0x1] =	wrdreg $0xFFFFFFFF  }
0xae: {  	[dreg:$0x0] =	wrdreg $0x60  }
0xaf: {  	[dreg:$0x2] =	wrdreg s18  }
0xb0: {  	[dreg:$0x3] =	wrdreg s2  }
0xb1: {  	[dreg:$0x4] =	wrdreg s24  }
0xb2: {  	[dreg:$0x5] =	wrdreg $0x9  }
0xb3: {  	_ =	task.clear_ibuf [dreg:s8], $0x6FFFF;
	_ =	strace $0x90000046  }
0xb4: {  	s29 =	simm.s32 $0x9;
	_ =	strace $0x80000048  }
0xb5: {  	_ =	swait.ge [sflag:s29], $0x1  }
0xb6: {  	[sflag:s29] =	ssyncadd.s32 $0xFFFFFFFF  }
0xb7: {  	_ =	strace $0x90000048  }
0xb8: {  	_ =	sfence  }
0xb9: {  	s30 =	sld [smem:$0x0];
	_ =	sdelay $0x2  }
0xba: {  	s31 =	sshll.u32 s1, $0xD;
	s1 =	sshrl.u32 s1, $0x2  }
0xbb: {  	s3 =	sand.u32 $0x4000, s31;
	s1 =	sadd.s32 s1, s30  }
0xbc: {  	s0 =	sor.u32 s3, s0;
	s1 =	sshll.u32 s1, $0x11  }
0xbd: {  	s0 =	sor.u32 s1, s0  }
0xbe: {  	s0 =	sadd.s32 $0x8F2B, s0  }
0xbf: {  	[sflag:s0] =	ssyncadd.remote.s32 $0x1  }
0xc0: {  	_ =	sfence.sel $0xFFFF  }
0xc1: {  	[dreg:$0x0] =	wrdreg $0xFFFFFFFF;
	(pc) =	sbr.abs _section_cstart, $3  }
0xc2: {  	[dreg:$0x1] =	wrdreg $0xFFFFFFFF  }
0xc3: {  	_ =	task.clear_ibuf [dreg:s8], $0x2FFFF;
	_ =	strace $0x9FFFFFFF  }
0xc4: {  	(tm) =	ssettm $0x7FFFFFFF  }
0xc5: {  	_ =	shalt  }
tec
execute0_lowered:
.L_overlay_start_1:
0x0: {  	(tag) =	ssettag $0x1  }
0x1: {  	s6 =	rddreg [dreg:$0x0]  }
0x2: {  	s1 =	rddreg [dreg:$0x1]  }
0x3: {  	s4 =	rddreg [dreg:$0x2]  }
0x4: {  	s0 =	rddreg [dreg:$0x3];
	s5 =	srdreg.scid  }
0x5: {  	s3 =	simm.s32 $0x0;
	s2 =	stileid.u32;
	s10 =	simm.s32 $0x2000  }
0x6: {  	s11 =	simm.s32 $0x80;
	s12 =	simm.s32 $0x5400;
	s13 =	simm.s32 $0x1  }
0x7: {  	s14 =	simm.s32 $0x8800;
	s15 =	simm.s32 $0xA400;
	s16 =	simm.s32 $0xC000  }
0x8: {  	s17 =	simm.s32 $0xDC00;
	s18 =	simm.s32 $0x2;
	s19 =	simm.s32 $0x0  }
0x9: {  	s5 =	sand.u32 $0x1, s5;
	[smem:$0x7FF] =	sst s3;
	s8 =	sshll.u32 s2, $0x1  }
0xa: {  	s4 =	sadd.s32 $0x400, s4;
	s7 =	ssub.s32 $0x2, s5;
	s5 =	sor.u32 s5, s8  }
0xb: {  	_ =	strace $0x80000047;
	s9 =	sshrl.u32 s7, $0x1;
	s8 =	sshll.u32 s5, $0xA  }
0xc: {  	s5 =	sshll.u32 s5, $0x7;
	s7 =	ssub.s32 s7, s9;
	s6 =	sadd.s32 s6, s8  }
0xd: {  	s8 =	simm.s32 $0x3;
	s9 =	simm.s32 $0x64;
	s7 =	smax.u32 s7, $0x1  }
.LBB2_1:
0xe: {  	[tilespmem:s3], [sflag:$0x3] =	stream.linear.gather [hbm4b:s6+s3], $0x2000, $0x38;
	[tilespmem:$0xF800] =	vst v63  }
0xf: {  	_ =	swait.ge [sflag:s8], $0x2000  }
0x10: {  	[sflag:s8] =	ssyncset.done $0x0  }
0x11: {  	[sflag:s8] =	ssyncadd.s32 $0xFFFFE000  }
0x12: {  	[tilespmem:s10], [sflag:$0x1] =	stream.indirect.gather [hbm4b:s1+s9], $0x80, s3, s9, $0xb8;
	[tilespmem:$0xF800] =	vst v63  }
0x13: {  	s20 =	simm.s32 $0x0  }
0x14: {  	[tilespmem:s12], [sflag:$0x1] =	stream.indirect.gather [hbm4b:s1+s9], $0x80, s11, s9, $0xb8;
	[tilespmem:$0xF800] =	vst v63  }
.LBB2_2:
0x15: {  	_ =	swait.ge [sflag:s13], $0x3200  }
0x16: {  	p1 =	seq.s32 s20, $0x0;
	[sflag:s13] =	ssyncset.done $0x0  }
0x17: {  	s21 =	simm.s32 @!p1 $0x2;
	[sflag:s13] =	ssyncadd.s32 $0xFFFFCE00  }
0x18: {  	_ =	swait.ge @!p1 [sflag:s21], $0x3200  }
0x19: {  	[sflag:s21] =	ssyncset.done @!p1 $0x0  }
0x1a: {  	s22 =	simm.s32 $0x0;
	[sflag:s21] =	ssyncadd.s32 @!p1 $0xFFFFCE00  }
0x1b: {  	v0 =	vld [tilespmem:s22+$0x3970]  }
0x1c: {  	v1 =	vld [tilespmem:s22+$0x2000]  }
0x1d: {  	v2 =	vld [tilespmem:s22+$0x2010]  }
0x1e: {  	v3 =	vld [tilespmem:s22+$0x2020]  }
0x1f: {  	v6 =	vld [tilespmem:s22+$0x2050]  }
0x20: {  	v4 =	vld [tilespmem:s22+$0x2030];
	v0 =	vmul.f32 $1.131370830e+01, v0  }
0x21: {  	v5 =	vld [tilespmem:s22+$0x2040];
	v1 =	vmul.f32 $1.131370830e+01, v1  }
0x22: {  	v7 =	vld [tilespmem:s22+$0x2060];
	[tilespmem:s22+$0xA470] =	vst v0;
	v0 =	vmul.f32 $1.131370830e+01, v2  }
0x23: {  	v8 =	vld [tilespmem:s22+$0x2070];
	[tilespmem:s22+$0x8800] =	vst v1;
	v1 =	vmul.f32 $1.131370830e+01, v3  }
0x24: {  	v2 =	vmul.f32 $1.131370830e+01, v6;
	[tilespmem:s22+$0x8810] =	vst v0  }
0x25: {  	v9 =	vld [tilespmem:s22+$0x3900];
	v0 =	vmul.f32 $1.131370830e+01, v4;
	[tilespmem:s22+$0x8820] =	vst v1  }
0x26: {  	v4 =	vld [tilespmem:s22+$0x3910];
	v1 =	vmul.f32 $1.131370830e+01, v5;
	[tilespmem:s22+$0x8850] =	vst v2  }
0x27: {  	v3 =	vmul.f32 $1.131370830e+01, v7;
	[tilespmem:s22+$0x8830] =	vst v0;
	v0 =	vld [tilespmem:s22+$0x3920]  }
0x28: {  	v5 =	vmul.f32 $1.131370830e+01, v8;
	[tilespmem:s22+$0x8840] =	vst v1;
	v1 =	vld [tilespmem:s22+$0x3930]  }
0x29: {  	v2 =	vld [tilespmem:s22+$0x3940];
	[tilespmem:s22+$0x8860] =	vst v3  }
0x2a: {  	v3 =	vld [tilespmem:s22+$0x3950];
	[tilespmem:s22+$0x8870] =	vst v5;
	v5 =	vmul.f32 $1.131370830e+01, v9  }
0x2b: {  	s23 =	simm.s32 $0x80;
	s24 =	simm.s32 $0x400;
	s21 =	sshll.u32 s20, $0xA;
	v6 =	vmul.f32 $1.131370830e+01, v4;
	v4 =	vld [tilespmem:s22+$0x3960]  }
.LBB2_3:
0x2c: {  	p0 =	sne.s32 s24, $0x6200;
	v7 =	vld [tilespmem:s23+$0x3970];
	[tilespmem:s22+$0xA400] =	vst v5;
	v0 =	vmul.f32 $1.131370830e+01, v0  }
0x2d: {  	v5 =	vld [tilespmem:s23+$0x2000];
	[tilespmem:s22+$0xA410] =	vst v6;
	v1 =	vmul.f32 $1.131370830e+01, v1  }
0x2e: {  	v6 =	vld [tilespmem:s23+$0x2010];
	[tilespmem:s22+$0xA420] =	vst v0;
	v0 =	vmul.f32 $1.131370830e+01, v2  }
0x2f: {  	v2 =	vld [tilespmem:s23+$0x2020];
	[tilespmem:s22+$0xA430] =	vst v1;
	v1 =	vmul.f32 $1.131370830e+01, v3  }
0x30: {  	v3 =	vld [tilespmem:s23+$0x2030];
	[tilespmem:s22+$0xA440] =	vst v0;
	v0 =	vmul.f32 $1.131370830e+01, v4  }
0x31: {  	v4 =	vld [tilespmem:s23+$0x2040];
	v7 =	vmul.f32 $1.131370830e+01, v7;
	[tilespmem:s22+$0xA450] =	vst v1  }
0x32: {  	v1 =	vmul.f32 $1.131370830e+01, v5;
	v5 =	vld [tilespmem:s23+$0x2050];
	[tilespmem:s22+$0xA460] =	vst v0;
	s22 =	smov.u32 s23  }
0x33: {  	v0 =	vmul.f32 $1.131370830e+01, v6;
	v6 =	vld [tilespmem:s22+$0x2060];
	[tilespmem:s22+$0xA470] =	vst v7  }
0x34: {  	[tilespmem:s22+$0x8800] =	vst v1;
	v1 =	vmul.f32 $1.131370830e+01, v2;
	v2 =	vld [tilespmem:s22+$0x2070]  }
0x35: {  	[tilespmem:s22+$0x8810] =	vst v0;
	v0 =	vmul.f32 $1.131370830e+01, v3;
	v3 =	vld [tilespmem:s22+$0x3900]  }
0x36: {  	[tilespmem:s22+$0x8820] =	vst v1;
	v1 =	vmul.f32 $1.131370830e+01, v4;
	v4 =	vld [tilespmem:s22+$0x3910]  }
.Ltmp0:
0x37: {  	[tilespmem:s22+$0x8830] =	vst v0;
	v5 =	vmul.f32 $1.131370830e+01, v5;
	v0 =	vld [tilespmem:s22+$0x3920];
	(pc) =	sbr.rel @p0 .LBB2_3-.Ltmp0, $4  }
0x38: {  	[tilespmem:s22+$0x8840] =	vst v1;
	v6 =	vmul.f32 $1.131370830e+01, v6;
	v1 =	vld [tilespmem:s22+$0x3930]  }
0x39: {  	[tilespmem:s22+$0x8850] =	vst v5;
	v7 =	vmul.f32 $1.131370830e+01, v2;
	v2 =	vld [tilespmem:s22+$0x3940]  }
0x3a: {  	[tilespmem:s22+$0x8860] =	vst v6;
	v5 =	vmul.f32 $1.131370830e+01, v3;
	v3 =	vld [tilespmem:s22+$0x3950]  }
0x3b: {  	s23 =	sshra.s32 s24, $0x2;
	s24 =	sadd.s32 $0x200, s24;
	[tilespmem:s22+$0x8870] =	vst v7;
	v6 =	vmul.f32 $1.131370830e+01, v4;
	v4 =	vld [tilespmem:s22+$0x3960]  }
0x3c: {  	v7 =	vld [tilespmem:s23+$0x3970];
	[tilespmem:s22+$0xA400] =	vst v5;
	v0 =	vmul.f32 $1.131370830e+01, v0  }
0x3d: {  	v5 =	vld [tilespmem:s23+$0x2000];
	[tilespmem:s22+$0xA410] =	vst v6;
	v1 =	vmul.f32 $1.131370830e+01, v1  }
0x3e: {  	v6 =	vld [tilespmem:s23+$0x2010];
	[tilespmem:s22+$0xA420] =	vst v0;
	v2 =	vmul.f32 $1.131370830e+01, v2  }
0x3f: {  	v0 =	vld [tilespmem:s23+$0x2020];
	[tilespmem:s22+$0xA430] =	vst v1;
	v3 =	vmul.f32 $1.131370830e+01, v3  }
0x40: {  	v1 =	vld [tilespmem:s23+$0x2030];
	[tilespmem:s22+$0xA440] =	vst v2;
	v4 =	vmul.f32 $1.131370830e+01, v4  }
0x41: {  	v2 =	vld [tilespmem:s23+$0x2040];
	[tilespmem:s22+$0xA450] =	vst v3;
	v7 =	vmul.f32 $1.131370830e+01, v7  }
0x42: {  	v3 =	vld [tilespmem:s23+$0x2050];
	[tilespmem:s22+$0xA460] =	vst v4;
	v4 =	vmul.f32 $1.131370830e+01, v5  }
0x43: {  	v5 =	vld [tilespmem:s23+$0x2060];
	[tilespmem:s23+$0xA470] =	vst v7;
	v6 =	vmul.f32 $1.131370830e+01, v6  }
0x44: {  	[tilespmem:s23+$0x8800] =	vst v4;
	v4 =	vld [tilespmem:s23+$0x2070];
	v0 =	vmul.f32 $1.131370830e+01, v0  }
0x45: {  	[tilespmem:s23+$0x8810] =	vst v6;
	v6 =	vld [tilespmem:s23+$0x3900];
	v1 =	vmul.f32 $1.131370830e+01, v1  }
0x46: {  	[tilespmem:s23+$0x8820] =	vst v0;
	v0 =	vld [tilespmem:s23+$0x3910];
	v2 =	vmul.f32 $1.131370830e+01, v2  }
0x47: {  	[tilespmem:s23+$0x8830] =	vst v1;
	v1 =	vld [tilespmem:s23+$0x3920];
	v3 =	vmul.f32 $1.131370830e+01, v3  }
0x48: {  	[tilespmem:s23+$0x8840] =	vst v2;
	v2 =	vld [tilespmem:s23+$0x3930];
	v5 =	vmul.f32 $1.131370830e+01, v5  }
0x49: {  	[tilespmem:s23+$0x8850] =	vst v3;
	v3 =	vld [tilespmem:s23+$0x3940];
	v4 =	vmul.f32 $1.131370830e+01, v4  }
0x4a: {  	[tilespmem:s23+$0x8860] =	vst v5;
	v5 =	vld [tilespmem:s23+$0x3950];
	v6 =	vmul.f32 $1.131370830e+01, v6  }
0x4b: {  	[tilespmem:s23+$0x8870] =	vst v4;
	v0 =	vmul.f32 $1.131370830e+01, v0;
	v4 =	vld [tilespmem:s23+$0x3960]  }
0x4c: {  	[tilespmem:s23+$0xA400] =	vst v6;
	v1 =	vmul.f32 $1.131370830e+01, v1  }
0x4d: {  	[tilespmem:s23+$0xA410] =	vst v0;
	v0 =	vmul.f32 $1.131370830e+01, v2  }
0x4e: {  	[tilespmem:s23+$0xA420] =	vst v1;
	v1 =	vmul.f32 $1.131370830e+01, v3  }
0x4f: {  	p0 =	seq.s32 s20, $0x1F;
	[tilespmem:s23+$0xA430] =	vst v0;
	v0 =	vmul.f32 $1.131370830e+01, v5  }
0x50: {  	s22 =	sshrl.u32 @!p0 s21, $0x2;
	s21 =	sshll.u32 s20, $0x2;
	[tilespmem:s23+$0xA440] =	vst v1;
	v1 =	vmul.f32 $1.131370830e+01, v4  }
0x51: {  	s26 =	simm.s32 @!p0 $0x2000;
	s25 =	sadd.s32 s5, s21;
	[tilespmem:s23+$0xA450] =	vst v0  }
0x52: {  	s24 =	sadd.s32 @!p0 $0x100, s22;
	s25 =	smul.u32 $0x380, s25;
	[tilespmem:s23+$0xA460] =	vst v1;
	s23 =	simm.s32 @!p0 $0x64  }
0x53: {  	[tilespmem:s26], [sflag:$0x1] =	stream.indirect.gather @!p0 [hbm4b:s1+s23], $0x80, s24, s23, $0xb8;
	[tilespmem:$0xF800] =	vst v63  }
0x54: {  	s31 =	sadd.s32 s4, s25  }
0x55: {  	[hbm4b:s31+s3] =	stream.linear.scatter [tilespmem:s14], [sflag:$0x2], $0x1900, $0x38;
	[tilespmem:$0xF800] =	vst v63  }
0x56: {  	s23 =	sadd.s32 $0x380, s31  }
0x57: {  	[hbm4b:s23+s3] =	stream.linear.scatter [tilespmem:s15], [sflag:$0x2], $0x1900, $0x38;
	[tilespmem:$0xF800] =	vst v63  }
0x58: {  	_ =	swait.ge [sflag:s13], $0x3200  }
0x59: {  	[sflag:s13] =	ssyncset.done $0x0  }
0x5a: {  	s23 =	simm.s32 @!p1 $0x2;
	[sflag:s13] =	ssyncadd.s32 $0xFFFFCE00  }
0x5b: {  	_ =	swait.ge @!p1 [sflag:s23], $0x3200  }
0x5c: {  	[sflag:s23] =	ssyncset.done @!p1 $0x0  }
0x5d: {  	[sflag:s23] =	ssyncadd.s32 @!p1 $0xFFFFCE00;
	s23 =	simm.s32 $0x0  }
0x5e: {  	v0 =	vld [tilespmem:s23+$0x6D70]  }
0x5f: {  	v1 =	vld [tilespmem:s23+$0x5400]  }
0x60: {  	v2 =	vld [tilespmem:s23+$0x5410]  }
0x61: {  	v3 =	vld [tilespmem:s23+$0x5420]  }
0x62: {  	v6 =	vld [tilespmem:s23+$0x5450]  }
0x63: {  	v4 =	vld [tilespmem:s23+$0x5430];
	v0 =	vmul.f32 $1.131370830e+01, v0  }
0x64: {  	v5 =	vld [tilespmem:s23+$0x5440];
	v1 =	vmul.f32 $1.131370830e+01, v1  }
0x65: {  	v7 =	vld [tilespmem:s23+$0x5460];
	[tilespmem:s23+$0xDC70] =	vst v0;
	v0 =	vmul.f32 $1.131370830e+01, v2  }
0x66: {  	v8 =	vld [tilespmem:s23+$0x5470];
	[tilespmem:s23+$0xC000] =	vst v1;
	v1 =	vmul.f32 $1.131370830e+01, v3  }
0x67: {  	v2 =	vmul.f32 $1.131370830e+01, v6;
	[tilespmem:s23+$0xC010] =	vst v0  }
0x68: {  	v9 =	vld [tilespmem:s23+$0x6D00];
	v0 =	vmul.f32 $1.131370830e+01, v4;
	[tilespmem:s23+$0xC020] =	vst v1  }
0x69: {  	v4 =	vld [tilespmem:s23+$0x6D10];
	v1 =	vmul.f32 $1.131370830e+01, v5;
	[tilespmem:s23+$0xC050] =	vst v2  }
0x6a: {  	v3 =	vmul.f32 $1.131370830e+01, v7;
	[tilespmem:s23+$0xC030] =	vst v0;
	v0 =	vld [tilespmem:s23+$0x6D20]  }
0x6b: {  	v5 =	vmul.f32 $1.131370830e+01, v8;
	[tilespmem:s23+$0xC040] =	vst v1;
	v1 =	vld [tilespmem:s23+$0x6D30]  }
0x6c: {  	v2 =	vld [tilespmem:s23+$0x6D40];
	[tilespmem:s23+$0xC060] =	vst v3  }
0x6d: {  	v3 =	vld [tilespmem:s23+$0x6D50];
	[tilespmem:s23+$0xC070] =	vst v5;
	v5 =	vmul.f32 $1.131370830e+01, v9  }
0x6e: {  	s25 =	simm.s32 $0x400;
	s24 =	simm.s32 $0x80;
	v6 =	vmul.f32 $1.131370830e+01, v4;
	v4 =	vld [tilespmem:s23+$0x6D60]  }
.LBB2_5:
0x6f: {  	p1 =	sne.s32 s25, $0x6200;
	v7 =	vld [tilespmem:s24+$0x6D70];
	[tilespmem:s23+$0xDC00] =	vst v5;
	v0 =	vmul.f32 $1.131370830e+01, v0  }
0x70: {  	v5 =	vld [tilespmem:s24+$0x5400];
	[tilespmem:s23+$0xDC10] =	vst v6;
	v1 =	vmul.f32 $1.131370830e+01, v1  }
0x71: {  	v6 =	vld [tilespmem:s24+$0x5410];
	[tilespmem:s23+$0xDC20] =	vst v0;
	v0 =	vmul.f32 $1.131370830e+01, v2  }
0x72: {  	v2 =	vld [tilespmem:s24+$0x5420];
	[tilespmem:s23+$0xDC30] =	vst v1;
	v1 =	vmul.f32 $1.131370830e+01, v3  }
0x73: {  	v3 =	vld [tilespmem:s24+$0x5430];
	[tilespmem:s23+$0xDC40] =	vst v0;
	v0 =	vmul.f32 $1.131370830e+01, v4  }
0x74: {  	v4 =	vld [tilespmem:s24+$0x5440];
	v7 =	vmul.f32 $1.131370830e+01, v7;
	[tilespmem:s23+$0xDC50] =	vst v1  }
0x75: {  	v1 =	vmul.f32 $1.131370830e+01, v5;
	v5 =	vld [tilespmem:s24+$0x5450];
	[tilespmem:s23+$0xDC60] =	vst v0;
	s23 =	smov.u32 s24  }
0x76: {  	v0 =	vmul.f32 $1.131370830e+01, v6;
	v6 =	vld [tilespmem:s23+$0x5460];
	[tilespmem:s23+$0xDC70] =	vst v7  }
0x77: {  	[tilespmem:s23+$0xC000] =	vst v1;
	v1 =	vmul.f32 $1.131370830e+01, v2;
	v2 =	vld [tilespmem:s23+$0x5470]  }
0x78: {  	[tilespmem:s23+$0xC010] =	vst v0;
	v0 =	vmul.f32 $1.131370830e+01, v3;
	v3 =	vld [tilespmem:s23+$0x6D00]  }
0x79: {  	[tilespmem:s23+$0xC020] =	vst v1;
	v1 =	vmul.f32 $1.131370830e+01, v4;
	v4 =	vld [tilespmem:s23+$0x6D10]  }
.Ltmp1:
0x7a: {  	[tilespmem:s23+$0xC030] =	vst v0;
	v5 =	vmul.f32 $1.131370830e+01, v5;
	v0 =	vld [tilespmem:s23+$0x6D20];
	(pc) =	sbr.rel @p1 .LBB2_5-.Ltmp1, $4  }
0x7b: {  	[tilespmem:s23+$0xC040] =	vst v1;
	v6 =	vmul.f32 $1.131370830e+01, v6;
	v1 =	vld [tilespmem:s23+$0x6D30]  }
0x7c: {  	[tilespmem:s23+$0xC050] =	vst v5;
	v7 =	vmul.f32 $1.131370830e+01, v2;
	v2 =	vld [tilespmem:s23+$0x6D40]  }
0x7d: {  	[tilespmem:s23+$0xC060] =	vst v6;
	v5 =	vmul.f32 $1.131370830e+01, v3;
	v3 =	vld [tilespmem:s23+$0x6D50]  }
0x7e: {  	s24 =	sshra.s32 s25, $0x2;
	s25 =	sadd.s32 $0x200, s25;
	[tilespmem:s23+$0xC070] =	vst v7;
	v6 =	vmul.f32 $1.131370830e+01, v4;
	v4 =	vld [tilespmem:s23+$0x6D60]  }
0x7f: {  	v7 =	vld [tilespmem:s24+$0x6D70];
	[tilespmem:s23+$0xDC00] =	vst v5;
	v0 =	vmul.f32 $1.131370830e+01, v0  }
0x80: {  	v5 =	vld [tilespmem:s24+$0x5400];
	[tilespmem:s23+$0xDC10] =	vst v6;
	v1 =	vmul.f32 $1.131370830e+01, v1  }
0x81: {  	v6 =	vld [tilespmem:s24+$0x5410];
	[tilespmem:s23+$0xDC20] =	vst v0;
	v2 =	vmul.f32 $1.131370830e+01, v2  }
0x82: {  	v0 =	vld [tilespmem:s24+$0x5420];
	[tilespmem:s23+$0xDC30] =	vst v1;
	v3 =	vmul.f32 $1.131370830e+01, v3  }
0x83: {  	v1 =	vld [tilespmem:s24+$0x5430];
	[tilespmem:s23+$0xDC40] =	vst v2;
	v4 =	vmul.f32 $1.131370830e+01, v4  }
0x84: {  	v2 =	vld [tilespmem:s24+$0x5440];
	[tilespmem:s23+$0xDC50] =	vst v3;
	v7 =	vmul.f32 $1.131370830e+01, v7  }
0x85: {  	v3 =	vld [tilespmem:s24+$0x5450];
	[tilespmem:s23+$0xDC60] =	vst v4;
	v50 =	vmul.f32 $1.131370830e+01, v5  }
0x86: {  	v51 =	vld [tilespmem:s24+$0x5460];
	[tilespmem:s24+$0xDC70] =	vst v7;
	v6 =	vmul.f32 $1.131370830e+01, v6  }
0x87: {  	v52 =	vld [tilespmem:s24+$0x5470];
	[tilespmem:s24+$0xC000] =	vst v50;
	v0 =	vmul.f32 $1.131370830e+01, v0  }
0x88: {  	v53 =	vld [tilespmem:s24+$0x6D00];
	[tilespmem:s24+$0xC010] =	vst v6;
	v1 =	vmul.f32 $1.131370830e+01, v1  }
0x89: {  	v54 =	vld [tilespmem:s24+$0x6D10];
	[tilespmem:s24+$0xC020] =	vst v0;
	v2 =	vmul.f32 $1.131370830e+01, v2  }
0x8a: {  	v55 =	vld [tilespmem:s24+$0x6D20];
	[tilespmem:s24+$0xC030] =	vst v1;
	v3 =	vmul.f32 $1.131370830e+01, v3  }
0x8b: {  	v56 =	vld [tilespmem:s24+$0x6D30];
	[tilespmem:s24+$0xC040] =	vst v2;
	v5 =	vmul.f32 $1.131370830e+01, v51  }
0x8c: {  	v57 =	vld [tilespmem:s24+$0x6D40];
	v4 =	vmul.f32 $1.131370830e+01, v52;
	[tilespmem:s24+$0xC050] =	vst v3  }
0x8d: {  	v58 =	vld [tilespmem:s24+$0x6D50];
	v6 =	vmul.f32 $1.131370830e+01, v53;
	[tilespmem:s24+$0xC060] =	vst v5  }
0x8e: {  	v59 =	vld [tilespmem:s24+$0x6D60];
	v0 =	vmul.f32 $1.131370830e+01, v54;
	[tilespmem:s24+$0xC070] =	vst v4  }
0x8f: {  	v1 =	vmul.f32 $1.131370830e+01, v55;
	[tilespmem:s24+$0xDC00] =	vst v6  }
0x90: {  	v60 =	vmul.f32 $1.131370830e+01, v56;
	[tilespmem:s24+$0xDC10] =	vst v0  }
0x91: {  	v61 =	vmul.f32 $1.131370830e+01, v57;
	[tilespmem:s24+$0xDC20] =	vst v1  }
0x92: {  	v62 =	vmul.f32 $1.131370830e+01, v58;
	[tilespmem:s24+$0xDC30] =	vst v60  }
0x93: {  	v63 =	vmul.f32 $1.131370830e+01, v59;
	[tilespmem:s24+$0xDC40] =	vst v61  }
0x94: {  	s22 =	sadd.s32 @!p0 $0x180, s22;
	s21 =	sadd.s32 s21, s5;
	s20 =	sadd.s32 $0x1, s20;
	[tilespmem:s24+$0xDC50] =	vst v62  }
0x95: {  	s21 =	smul.u32 $0x380, s21;
	s23 =	simm.s32 @!p0 $0x64;
	[tilespmem:s24+$0xDC60] =	vst v63;
	s24 =	simm.s32 @!p0 $0x5400  }
0x96: {  	[tilespmem:s24], [sflag:$0x1] =	stream.indirect.gather @!p0 [hbm4b:s1+s23], $0x80, s22, s23, $0xb8;
	[tilespmem:$0xF800] =	vst v63  }
0x97: {  	p0 =	sne.s32 s20, $0x20  }
.Ltmp2:
0x98: {  	s21 =	sadd.s32 s4, s21;
	(pc) =	sbr.rel @p0 .LBB2_2-.Ltmp2, $4  }
0x99: {  	s31 =	sadd.s32 $0x700, s21  }
0x9a: {  	[hbm4b:s31+s3] =	stream.linear.scatter [tilespmem:s16], [sflag:$0x2], $0x1900, $0x38;
	[tilespmem:$0xF800] =	vst v63  }
0x9b: {  	s21 =	sadd.s32 $0xA80, s21  }
0x9c: {  	[hbm4b:s21+s3] =	stream.linear.scatter [tilespmem:s17], [sflag:$0x2], $0x1900, $0x38;
	[tilespmem:$0xF800] =	vst v63  }
0x9d: {  	s19 =	sadd.s32 $0x1, s19  }
0x9e: {  	_ =	swait.ge [sflag:s18], $0x3200;
	p0 =	sne.s32 s19, s7  }
.Ltmp3:
0x9f: {  	[sflag:s18] =	ssyncset.done $0x0;
	(pc) =	sbr.rel @p0 .LBB2_1-.Ltmp3, $4  }
0xa0: {  	[sflag:s18] =	ssyncadd.s32 $0xFFFFCE00  }
0xa1: {  	_ =	swait.ge [sflag:s18], $0x3200  }
0xa2: {  	[sflag:s18] =	ssyncset.done $0x0  }
0xa3: {  	[sflag:s18] =	ssyncadd.s32 $0xFFFFCE00  }
0xa4: {  	_ =	sfence.sel $0x180000  }
0xa5: {  	[bflag:$0x0] =	sbarrier.arrive $0xFFFF  }
0xa6: {  	p0 =	sne.s32 s2, $0x0;
	_ =	strace $0x90000047  }
0xa7: {  	s0 =	sadd.s32 @!p0 $0x100000, s0;
	[bflag:$0x2] =	sbarrier.arrive $0xFFFF  }
0xa8: {  	[sflag:s0] =	ssyncadd.tile.s32 @!p0 $0x1;
	_ =	shalt  }
.Lfunc_end2:
_tile_overlayer_lowered:
.L_overlay_start_2:
0xa9: {  	(tag) =	ssettag $0x2  }
0xaa: {  	s0 =	rddreg [dreg:$0x0];
	s2 =	stileid.u32  }
0xab: {  	s1 =	rddreg [dreg:$0x1];
	p0 =	sne.s32 s2, $0x0  }
0xac: {  	s3 =	rddreg [dreg:$0x2];
	[bflag:$0x3] =	sbarrier.arrive $0xFFFF;
	s2 =	simm.s32 @!p0 $0x1C03  }
0xad: {  	[timem:s3], [sflag:s2] =	dma.local @!p0 [hbm:s0], s1  }
0xae: {  	s0 =	simm.s32 @!p0 $0x3  }
0xaf: {  	_ =	swait.ge @!p0 [sflag:s0], s1  }
0xb0: {  	s1 =	ssub.s32 @!p0 $0x0, s1;
	[sflag:s0] =	ssyncset.done @!p0 $0x0  }
0xb1: {  	[sflag:s0] =	ssyncadd.s32 @!p0 s1  }
0xb2: {  	[bflag:$0x3] =	sbarrier.arrive $0xFFFF  }
0xb3: {  	_ =	shalt  }

</sc_bundles>
